<compile_context>
chip_gen: v7x
topology: tpu7x:2x2x1
jax: 0.10.2.dev20260603
libtpu: 0.0.44.dev20260713+nightly
codegen_flags: <defaults>
</compile_context>

<pallas_src>
import jax
import jax.numpy as jnp
from jax import lax
from jax.experimental import pallas as pl
from jax.experimental.pallas import tpu as pltpu
from jax.experimental.pallas import tpu_sc as plsc

_N = 10000
_E = 320000
_D = 128
_H = 4
_DH = 32

_NC = 2
_NS = 16
_NW = _NC * _NS

_EW = _E // _NW
_C = 80
_NG = _C // 16
_NCHUNK = _EW // _C
_C2 = 16
_NCHUNK2 = _EW // _C2
_NP = 10240
_RPT = _NP // _NS
_DR = 320
_ER = 640
_EB = 40



def _proj_body(x_ref, wt_ref, ws_ref, wc_ref, wq_ref, q_ref, k_ref, vp_ref):
    xb = x_ref[...]
    q_ref[...] = lax.dot_general(xb, wt_ref[...], (((1,), (1,)), ((), ())),
                                 preferred_element_type=jnp.float32)
    k_ref[...] = lax.dot_general(xb, ws_ref[...], (((1,), (1,)), ((), ())),
                                 preferred_element_type=jnp.float32)
    v = lax.dot_general(xb, wc_ref[...], (((1,), (1,)), ((), ())),
                        preferred_element_type=jnp.float32)
    wq = wq_ref[...]
    for h in range(_H):
        vh = v[:, h * _DH:(h + 1) * _DH]
        wqh = wq[:, h * _DH:(h + 1) * _DH]
        vp_ref[:, h, :] = lax.dot_general(
            vh, wqh, (((1,), (1,)), ((), ())),
            preferred_element_type=jnp.float32)


def _project(x, Wt, Ws, Wc, Wq):
    blk = 1000
    grid = (_N // blk,)
    return pl.pallas_call(
        _proj_body,
        grid=grid,
        in_specs=[
            pl.BlockSpec((blk, _D), lambda i: (i, 0)),
            pl.BlockSpec((_D, _D), lambda i: (0, 0)),
            pl.BlockSpec((_D, _D), lambda i: (0, 0)),
            pl.BlockSpec((_D, _D), lambda i: (0, 0)),
            pl.BlockSpec((_D, _D), lambda i: (0, 0)),
        ],
        out_specs=[
            pl.BlockSpec((blk, _D), lambda i: (i, 0)),
            pl.BlockSpec((blk, _D), lambda i: (i, 0)),
            pl.BlockSpec((blk, _H, _D), lambda i: (i, 0, 0)),
        ],
        out_shape=[
            jax.ShapeDtypeStruct((_N, _D), jnp.float32),
            jax.ShapeDtypeStruct((_N, _D), jnp.float32),
            jax.ShapeDtypeStruct((_N, _H, _D), jnp.float32),
        ],
    )(x, Wt, Ws, Wc, Wq)



def _p1_body(qtab, ktab, src, dst, ehbm, denout,
             src_v, dst_v, drow_v, qb, kb, dmsg, ebuf, den, sem):
    cid = lax.axis_index("c")
    sid = lax.axis_index("s")
    wid = sid * _NC + cid
    iota = lax.iota(jnp.int32, 16)
    zeros = jnp.zeros((16,), jnp.float32)

    @pl.loop(0, _C)
    def _zero_dmsg(i):
        for j in range(_D // 16):
            dmsg[i, pl.ds(16 * j, 16)] = zeros

    @pl.when(sid < _DR // _C)
    def _zero_den():
        pltpu.sync_copy(dmsg, den.at[pl.ds(sid * _C, _C)])

    plsc.subcore_barrier()

    @pl.loop(0, _NCHUNK)
    def _chunk(g):
        base = wid * _EW + g * _C
        pltpu.sync_copy(src.at[pl.ds(base, _C)], src_v)
        pltpu.sync_copy(dst.at[pl.ds(base, _C)], dst_v.at[0])
        cq = pltpu.async_copy(qtab.at[dst_v.at[0]], qb, sem)
        ck = pltpu.async_copy(ktab.at[src_v], kb, sem)
        cq.wait()
        ck.wait()

        for j in range(_NG):
            dv = dst_v[0, pl.ds(16 * j, 16)]
            drow_v[0, pl.ds(16 * j, 16)] = dv // 32

        @pl.loop(0, _C)
        def _edge(i):
            evs = []
            for h in range(_H):
                p = (qb[i, pl.ds(32 * h, 16)] * kb[i, pl.ds(32 * h, 16)]
                     + qb[i, pl.ds(32 * h + 16, 16)]
                     * kb[i, pl.ds(32 * h + 16, 16)])
                sh = jnp.sum(p)
                evs.append(jnp.exp(jnp.broadcast_to(sh, (16,))))
            evec = jnp.where(iota == 0, evs[0],
                             jnp.where(iota == 1, evs[1],
                                       jnp.where(iota == 2, evs[2],
                                                 evs[3])))
            g16 = (i // 16) * 16
            erow = (g % 8) * _NG + i // 16
            elane = (i - g16) * 4 + iota
            plsc.store_scatter(ebuf, [jnp.broadcast_to(erow, (16,)), elane],
                               evec, mask=iota < _H)
            dvec = dst_v[0, pl.ds(g16, 16)]
            di_vec = dvec[jnp.broadcast_to(i - g16, (16,))]
            lane = (di_vec % 32) * 4 + iota
            plsc.store_scatter(dmsg, [jnp.broadcast_to(i, (16,)), lane],
                               evec, mask=iota < _H)

        pltpu.sync_copy(dmsg, den.at[drow_v.at[0]], add=True)

        @pl.loop(0, _C)
        def _clear(i):
            g16 = (i // 16) * 16
            dvec = dst_v[0, pl.ds(g16, 16)]
            di_vec = dvec[jnp.broadcast_to(i - g16, (16,))]
            lane = (di_vec % 32) * 4 + iota
            plsc.store_scatter(dmsg, [jnp.broadcast_to(i, (16,)), lane],
                               zeros, mask=iota < _H)

        @pl.when(((g % 8) == 7) | (g == _NCHUNK - 1))
        def _flush():
            pltpu.sync_copy(ebuf, ehbm.at[wid, pl.ds((g // 8) * _EB, _EB)])

    plsc.subcore_barrier()

    @pl.when(sid < _DR // _C)
    def _out_den():
        pltpu.sync_copy(den.at[pl.ds(sid * _C, _C)],
                        denout.at[cid, pl.ds(sid * _C, _C)])


def _phase1(qtab, ktab, src, dst):
    mesh = plsc.VectorSubcoreMesh(core_axis_name="c", subcore_axis_name="s",
                                  num_cores=_NC, num_subcores=_NS)
    return pl.kernel(
        _p1_body,
        out_type=[
            jax.ShapeDtypeStruct((_NW, _ER, 64), jnp.float32),
            jax.ShapeDtypeStruct((_NC, _DR, _D), jnp.float32),
        ],
        mesh=mesh,
        compiler_params=pltpu.CompilerParams(needs_layout_passes=False),
        scratch_types=[
            pltpu.VMEM((_C,), jnp.int32),
            pltpu.VMEM((1, _C), jnp.int32),
            pltpu.VMEM((1, _C), jnp.int32),
            pltpu.VMEM((_C, _D), jnp.float32),
            pltpu.VMEM((_C, _D), jnp.float32),
            pltpu.VMEM((_C, _D), jnp.float32),
            pltpu.VMEM((_EB, 64), jnp.float32),
            pltpu.VMEM_SHARED((_DR, _D), jnp.float32),
            pltpu.SemaphoreType.DMA,
        ],
    )(qtab, ktab, src, dst)



def _p2_body(vptab, drec, src, dst, ehbm, aggout,
             src_v, dst_v, vpb, drb, msg, ebuf, agg, sem):
    cid = lax.axis_index("c")
    sid = lax.axis_index("s")
    wid = sid * _NC + cid
    iota = lax.iota(jnp.int32, 16)
    zeros = jnp.zeros((16,), jnp.float32)

    @pl.loop(0, _C2)
    def _zero_msg(i):
        for j in range(_D // 16):
            msg[i, pl.ds(16 * j, 16)] = zeros

    @pl.loop(0, _RPT // _C2)
    def _zero_agg(j):
        pltpu.sync_copy(msg, agg.at[pl.ds(sid * _RPT + j * _C2, _C2)])

    plsc.subcore_barrier()

    @pl.loop(0, _NCHUNK2)
    def _chunk(g):
        @pl.when((g % _EB) == 0)
        def _load_exp():
            pltpu.sync_copy(ehbm.at[wid, pl.ds((g // _EB) * _EB, _EB)], ebuf)

        base = wid * _EW + g * _C2
        pltpu.sync_copy(src.at[pl.ds(base, _C2)], src_v)
        pltpu.sync_copy(dst.at[pl.ds(base, _C2)], dst_v.at[0])
        cv = pltpu.async_copy(vptab.at[src_v], vpb, sem)
        cd = pltpu.async_copy(drec.at[dst_v.at[0]], drb, sem)
        cv.wait()
        cd.wait()

        @pl.loop(0, _C2)
        def _edge(i):
            erow = g % _EB
            elane = i * 4 + (iota & 3)
            e4 = plsc.load_gather(ebuf,
                                  [jnp.broadcast_to(erow, (16,)), elane])
            r4 = plsc.load_gather(drb, [jnp.broadcast_to(i, (16,)),
                                        (iota & 3) * _DH])
            a4 = e4 * r4
            ah = [a4[jnp.broadcast_to(h, (16,))] for h in range(_H)]
            for j in range(_D // 16):
                m = ah[0] * vpb[i, 0, pl.ds(16 * j, 16)]
                m = m + ah[1] * vpb[i, 1, pl.ds(16 * j, 16)]
                m = m + ah[2] * vpb[i, 2, pl.ds(16 * j, 16)]
                m = m + ah[3] * vpb[i, 3, pl.ds(16 * j, 16)]
                msg[i, pl.ds(16 * j, 16)] = m

        pltpu.sync_copy(msg, agg.at[dst_v.at[0]], add=True)

    plsc.subcore_barrier()

    pltpu.sync_copy(agg.at[pl.ds(sid * _RPT, _RPT)],
                    aggout.at[cid, pl.ds(sid * _RPT, _RPT)])


def _phase2(vptab, drec, src, dst, ehbm):
    mesh = plsc.VectorSubcoreMesh(core_axis_name="c", subcore_axis_name="s",
                                  num_cores=_NC, num_subcores=_NS)
    return pl.kernel(
        _p2_body,
        out_type=jax.ShapeDtypeStruct((_NC, _NP, _D), jnp.float32),
        mesh=mesh,
        compiler_params=pltpu.CompilerParams(needs_layout_passes=False),
        scratch_types=[
            pltpu.VMEM((_C2,), jnp.int32),
            pltpu.VMEM((1, _C2), jnp.int32),
            pltpu.VMEM((_C2, _H, _D), jnp.float32),
            pltpu.VMEM((_C2, _D), jnp.float32),
            pltpu.VMEM((_C2, _D), jnp.float32),
            pltpu.VMEM((_EB, 64), jnp.float32),
            pltpu.VMEM_SHARED((_NP, _D), jnp.float32),
            pltpu.SemaphoreType.DMA,
        ],
    )(vptab, drec, src, dst, ehbm)



def kernel(x, edge_index, Wt, Ws, Wc, Wq, bq):
    ei = edge_index.astype(jnp.int32)
    src = ei[0]
    dst = ei[1]
    qtab, ktab, vptab = _project(x, Wt, Ws, Wc, Wq)
    ehbm, den = _phase1(qtab, ktab, src, dst)
    dent = (den[0] + den[1]).reshape(_NP, _H)
    rec = 1.0 / (dent + 1e-16)
    drec = jnp.repeat(rec, _DH, axis=1)
    agg = _phase2(vptab, drec, src, dst, ehbm)
    pre = (agg[0] + agg[1])[:_N] + bq
    return jnp.maximum(pre, 0.0) + x

# --- scband reference (transcript-rebuilt; emitter-appended) ---
"""Pipeline reference for scband-gat-18184891531290 (READ-ONLY COPY).

The authoritative reference and input builder live on the scoring server;
editing this copy changes nothing except your own understanding.
"""

import jax, jax.numpy as jnp
import numpy as np

N = 10000
E = 320000
D = 128
H = 4
DH = 32
TAU = 1.0

def setup_inputs(seed: int = 0) -> dict:
    key = jax.random.key(seed)
    k1, k2, k3, k4, k5, k6, k7 = jax.random.split(key, 7)
    x = jax.random.normal(k1, (N, D), dtype=jnp.float32)
    edge_index = jax.random.randint(k2, (2, E), 0, N, dtype=jnp.int64)
    # xavier uniform for linear layers: limit = sqrt(6/(fan_in+fan_out))
    lim = float(np.sqrt(6.0 / (D + H * DH)))
    Wt = jax.random.uniform(k3, (H * DH, D), dtype=jnp.float32, minval=-lim, maxval=lim)
    Ws = jax.random.uniform(k4, (H * DH, D), dtype=jnp.float32, minval=-lim, maxval=lim)
    Wc = jax.random.uniform(k5, (H * DH, D), dtype=jnp.float32, minval=-lim, maxval=lim)
    lim_q = float(np.sqrt(6.0 / (H * DH + D)))
    Wq = jax.random.uniform(k6, (D, H * DH), dtype=jnp.float32, minval=-lim_q, maxval=lim_q)
    bq = jnp.zeros((D,), dtype=jnp.float32)
    return {"x": x, "edge_index": edge_index, "Wt": Wt, "Ws": Ws, "Wc": Wc, "Wq": Wq, "bq": bq}

def reference(x, edge_index, Wt, Ws, Wc, Wq, bq):
    # Step 0: projections (dropout p=0 -> identity)
    q = (x @ Wt.T).reshape(N, H, DH)
    k = (x @ Ws.T).reshape(N, H, DH)
    v = (x @ Wc.T).reshape(N, H, DH)
    src = edge_index[0]  # j (source)
    dst = edge_index[1]  # i (target)
    # Step 1: interaction scores e_ij = (h_i W_t) . (h_j W_s)
    scores = jnp.sum(q[dst] * k[src], axis=-1) / TAU  # (E, H)
    # Step 2: temperature softmax grouped by destination node
    smax = jax.ops.segment_max(scores, dst, num_segments=N)  # (N, H)
    smax = jnp.where(jnp.isfinite(smax), smax, 0.0)
    expd = jnp.exp(scores - smax[dst])
    denom = jax.ops.segment_sum(expd, dst, num_segments=N)
    alpha = expd / (denom[dst] + 1e-16)  # (E, H)
    # Step 3: aggregate messages
    msg = v[src] * alpha[:, :, None]  # (E, H, DH)
    agg = jax.ops.segment_sum(msg, dst, num_segments=N)  # (N, H, DH)
    out = agg.reshape(N, H * DH)  # concat=True
    # Step 4: output projection + activation
    out = out @ Wq.T + bq
    out = jax.nn.relu(out)
    # residual: in_dim == out_dim -> identity res_proj
    out = out + x
    return out

if __name__ == "__main__":
    import jax
    _d = setup_inputs()
    print(jax.jit(kernel)(*tuple(_d.values())))

</pallas_src>

<mosaic_0001>
#map = affine_map<(d0, d1) -> (0, 0, 0)>
#map1 = affine_map<(d0, d1) -> (0, 0)>
#map2 = affine_map<(d0, d1) -> (0)>
module attributes {stable_mosaic.version = 14 : i64} {
  func.func @_p2_body(%arg0: i32, %arg1: i32, %arg2: memref<10000x4x128xf32, #tpu.memory_space<hbm>>, %arg3: memref<10240x128xf32, #tpu.memory_space<hbm>>, %arg4: memref<320000xi32, #tpu.memory_space<hbm>>, %arg5: memref<320000xi32, #tpu.memory_space<hbm>>, %arg6: memref<32x640x64xf32, #tpu.memory_space<hbm>>, %arg7: memref<2x10240x128xf32, #tpu.memory_space<hbm>>, %arg8: memref<16xi32, #tpu.memory_space<vmem>>, %arg9: memref<1x16xi32, #tpu.memory_space<vmem>>, %arg10: memref<16x4x128xf32, #tpu.memory_space<vmem>>, %arg11: memref<16x128xf32, #tpu.memory_space<vmem>>, %arg12: memref<16x128xf32, #tpu.memory_space<vmem>>, %arg13: memref<40x64xf32, #tpu.memory_space<vmem>>, %arg14: memref<10240x128xf32, #tpu.memory_space<vmem_shared>>, %arg15: memref<!tpu.dma_semaphore, #tpu.memory_space<semaphore_mem>>) attributes {dimension_semantics = [#tpu.dimension_semantics<core_parallel>, #tpu.dimension_semantics<subcore_parallel>], iteration_bounds = array<i64: 2, 16>, scalar_prefetch = 0 : i64, scratch_operands = 8 : i64, tpu.core_type = #tpu.core_type<sc_vector_subcore>, window_params = [{transform_indices = #map}, {transform_indices = #map1}, {transform_indices = #map2}, {transform_indices = #map2}, {transform_indices = #map}, {transform_indices = #map}]} {
    %mul3A = arith.constant 2 : i32
    %mul3A_0 = arith.muli %arg1, %mul3A : i32
    %add3A = arith.addi %mul3A_0, %arg0 : i32
    %iota3A = tpu.iota {dimensions = array<i32: 0>} : vector<16xi32>
    %broadcast_in_dim3A = arith.constant 0.000000e+00 : f32
    %broadcast_in_dim3A_1 = vector.broadcast %broadcast_in_dim3A : f32 to vector<16xf32>
    %scan3A = arith.constant 0 : i32
    %scan3A_2 = arith.constant 16 : i32
    %scan3A_3 = arith.addi %scan3A, %scan3A_2 : i32
    %scan3A_4 = arith.constant 1 : i32
    scf.for %scan3A_21 = %scan3A to %scan3A_3 step %scan3A_4  : i32 {
      %mul3A_22 = arith.constant 1 : i32
      %mul3A_23 = arith.muli %scan3A_21, %mul3A_22 : i32
      %add3A_24 = arith.constant 0 : i32
      %add3A_25 = arith.addi %add3A_24, %mul3A_23 : i32
      %swap3A = arith.index_cast %add3A_25 : i32 to index
      %swap3A_26 = arith.constant 0 : index
      %swap3A_27 = tpu.vector_load %arg12[%swap3A, %swap3A_26] {strides = array<i32>} : memref<16x128xf32, #tpu.memory_space<vmem>>, vector<16xf32>,
      tpu.vector_store %arg12[%swap3A, %swap3A_26], %broadcast_in_dim3A_1 {strides = array<i32>} : memref<16x128xf32, #tpu.memory_space<vmem>>, vector<16xf32>,
      %swap3A_28 = arith.index_cast %add3A_25 : i32 to index
      %swap3A_29 = arith.constant 16 : index
      %swap3A_30 = tpu.vector_load %arg12[%swap3A_28, %swap3A_29] {strides = array<i32>} : memref<16x128xf32, #tpu.memory_space<vmem>>, vector<16xf32>,
      tpu.vector_store %arg12[%swap3A_28, %swap3A_29], %broadcast_in_dim3A_1 {strides = array<i32>} : memref<16x128xf32, #tpu.memory_space<vmem>>, vector<16xf32>,
      %swap3A_31 = arith.index_cast %add3A_25 : i32 to index
      %swap3A_32 = arith.constant 32 : index
      %swap3A_33 = tpu.vector_load %arg12[%swap3A_31, %swap3A_32] {strides = array<i32>} : memref<16x128xf32, #tpu.memory_space<vmem>>, vector<16xf32>,
      tpu.vector_store %arg12[%swap3A_31, %swap3A_32], %broadcast_in_dim3A_1 {strides = array<i32>} : memref<16x128xf32, #tpu.memory_space<vmem>>, vector<16xf32>,
      %swap3A_34 = arith.index_cast %add3A_25 : i32 to index
      %swap3A_35 = arith.constant 48 : index
      %swap3A_36 = tpu.vector_load %arg12[%swap3A_34, %swap3A_35] {strides = array<i32>} : memref<16x128xf32, #tpu.memory_space<vmem>>, vector<16xf32>,
      tpu.vector_store %arg12[%swap3A_34, %swap3A_35], %broadcast_in_dim3A_1 {strides = array<i32>} : memref<16x128xf32, #tpu.memory_space<vmem>>, vector<16xf32>,
      %swap3A_37 = arith.index_cast %add3A_25 : i32 to index
      %swap3A_38 = arith.constant 64 : index
      %swap3A_39 = tpu.vector_load %arg12[%swap3A_37, %swap3A_38] {strides = array<i32>} : memref<16x128xf32, #tpu.memory_space<vmem>>, vector<16xf32>,
      tpu.vector_store %arg12[%swap3A_37, %swap3A_38], %broadcast_in_dim3A_1 {strides = array<i32>} : memref<16x128xf32, #tpu.memory_space<vmem>>, vector<16xf32>,
      %swap3A_40 = arith.index_cast %add3A_25 : i32 to index
      %swap3A_41 = arith.constant 80 : index
      %swap3A_42 = tpu.vector_load %arg12[%swap3A_40, %swap3A_41] {strides = array<i32>} : memref<16x128xf32, #tpu.memory_space<vmem>>, vector<16xf32>,
      tpu.vector_store %arg12[%swap3A_40, %swap3A_41], %broadcast_in_dim3A_1 {strides = array<i32>} : memref<16x128xf32, #tpu.memory_space<vmem>>, vector<16xf32>,
      %swap3A_43 = arith.index_cast %add3A_25 : i32 to index
      %swap3A_44 = arith.constant 96 : index
      %swap3A_45 = tpu.vector_load %arg12[%swap3A_43, %swap3A_44] {strides = array<i32>} : memref<16x128xf32, #tpu.memory_space<vmem>>, vector<16xf32>,
      tpu.vector_store %arg12[%swap3A_43, %swap3A_44], %broadcast_in_dim3A_1 {strides = array<i32>} : memref<16x128xf32, #tpu.memory_space<vmem>>, vector<16xf32>,
      %swap3A_46 = arith.index_cast %add3A_25 : i32 to index
      %swap3A_47 = arith.constant 112 : index
      %swap3A_48 = tpu.vector_load %arg12[%swap3A_46, %swap3A_47] {strides = array<i32>} : memref<16x128xf32, #tpu.memory_space<vmem>>, vector<16xf32>,
      tpu.vector_store %arg12[%swap3A_46, %swap3A_47], %broadcast_in_dim3A_1 {strides = array<i32>} : memref<16x128xf32, #tpu.memory_space<vmem>>, vector<16xf32>,
    }
    %scan3A_5 = arith.constant 16 : i32
    %scan3A_6 = arith.constant 0 : i32
    %scan3A_7 = arith.constant 40 : i32
    %scan3A_8 = arith.addi %scan3A_6, %scan3A_7 : i32
    %scan3A_9 = arith.constant 1 : i32
    scf.for %scan3A_21 = %scan3A_6 to %scan3A_8 step %scan3A_9  : i32 {
      %mul3A_22 = arith.constant 1 : i32
      %mul3A_23 = arith.muli %scan3A_21, %mul3A_22 : i32
      %add3A_24 = arith.constant 0 : i32
      %add3A_25 = arith.addi %add3A_24, %mul3A_23 : i32
      %mul3A_26 = arith.constant 640 : i32
      %mul3A_27 = arith.muli %arg1, %mul3A_26 : i32
      %mul3A_28 = arith.constant 16 : i32
      %mul3A_29 = arith.muli %add3A_25, %mul3A_28 : i32
      %add3A_30 = arith.addi %mul3A_27, %mul3A_29 : i32
      "tpu.region"() ({
        %run_scoped3A = tpu.sem_alloc : memref<!tpu.dma_semaphore, #tpu.memory_space<semaphore_mem>>
        %dma_start3A = arith.constant 0 : i32
        %dma_start3A_31 = tpu.memref_slice %arg14[%add3A_30, %dma_start3A] : memref<10240x128xf32, #tpu.memory_space<vmem_shared>> -> memref<16x128xf32, #tpu.memory_space<vmem_shared>>
        %dma_start3A_32 = arith.constant 0 : i32
        %dma_start3A_33 = tpu.memref_slice %arg14[%add3A_30, %dma_start3A_32] : memref<10240x128xf32, #tpu.memory_space<vmem_shared>> -> memref<16x128xf32, #tpu.memory_space<vmem_shared>>
        tpu.enqueue_dma source(%arg12 : memref<16x128xf32, #tpu.memory_space<vmem>>) target(%dma_start3A_33 : memref<16x128xf32, #tpu.memory_space<vmem_shared>>) target_semaphore(%run_scoped3A : memref<!tpu.dma_semaphore, #tpu.memory_space<semaphore_mem>>)
        %dma_wait3A = arith.constant 0 : i32
        %dma_wait3A_34 = tpu.memref_slice %arg14[%add3A_30, %dma_wait3A] : memref<10240x128xf32, #tpu.memory_space<vmem_shared>> -> memref<16x128xf32, #tpu.memory_space<vmem_shared>>
        %dma_wait3A_35 = arith.constant 0 : i32
        %dma_wait3A_36 = tpu.memref_slice %arg14[%add3A_30, %dma_wait3A_35] : memref<10240x128xf32, #tpu.memory_space<vmem_shared>> -> memref<16x128xf32, #tpu.memory_space<vmem_shared>>
        tpu.wait_dma2 semaphore(%run_scoped3A : memref<!tpu.dma_semaphore, #tpu.memory_space<semaphore_mem>>) src(%arg12 : memref<16x128xf32, #tpu.memory_space<vmem>>) dst(%dma_wait3A_36 : memref<16x128xf32, #tpu.memory_space<vmem_shared>>)
        tpu.yield
      }) : () -> ()
    }
    %scan3A_10 = arith.constant 40 : i32
    %barrier3A = arith.constant 0 : index
    tpu.barrier barrier_id(%barrier3A)
    %scan3A_11 = arith.constant 0 : i32
    %scan3A_12 = arith.constant 625 : i32
    %scan3A_13 = arith.addi %scan3A_11, %scan3A_12 : i32
    %scan3A_14 = arith.constant 1 : i32
    scf.for %scan3A_21 = %scan3A_11 to %scan3A_13 step %scan3A_14  : i32 {
      %mul3A_22 = arith.constant 1 : i32
      %mul3A_23 = arith.muli %scan3A_21, %mul3A_22 : i32
      %add3A_24 = arith.constant 0 : i32
      %add3A_25 = arith.addi %add3A_24, %mul3A_23 : i32
      %jit3A = arith.constant 40 : i32
      %eq3A = arith.constant 0 : i32
      %eq3A_26 = arith.cmpi eq, %jit3A, %eq3A : i32
      %jit3A_27 = arith.constant 1 : i32
      %select_n3A = arith.select %eq3A_26, %jit3A_27, %jit3A : i32
      %rem3A = arith.remsi %add3A_25, %select_n3A : i32
      %ne3A = arith.constant 0 : i32
      %ne3A_28 = arith.cmpi ne, %rem3A, %ne3A : i32
      %lt3A = arith.constant 0 : i32
      %lt3A_29 = arith.cmpi slt, %rem3A, %lt3A : i32
      %lt3A_30 = arith.constant 0 : i32
      %lt3A_31 = arith.cmpi slt, %select_n3A, %lt3A_30 : i32
      %ne3A_32 = arith.xori %lt3A_29, %lt3A_31 : i1
      %and3A = arith.andi %ne3A_32, %ne3A_28 : i1
      %add3A_33 = arith.addi %rem3A, %select_n3A : i32
      %select_n3A_34 = arith.select %and3A, %add3A_33, %rem3A : i32
      %eq3A_35 = arith.constant 0 : i32
      %eq3A_36 = arith.cmpi eq, %select_n3A_34, %eq3A_35 : i32
      %convert_element_type3A = arith.extui %eq3A_36 : i1 to i32
      %cond3A = arith.constant 0 : i32
      %cond3A_37 = arith.cmpi ne, %convert_element_type3A, %cond3A : i32
      scf.if %cond3A_37 {
        %jit3A_69 = arith.constant 40 : i32
        %div3A = arith.divsi %add3A_25, %jit3A_69 : i32
        %sign3A = arith.constant 0 : i32
        %sign3A_70 = arith.cmpi sgt, %add3A_25, %sign3A : i32
        %sign3A_71 = arith.extui %sign3A_70 : i1 to i32
        %sign3A_72 = arith.constant 0 : i32
        %sign3A_73 = arith.cmpi slt, %add3A_25, %sign3A_72 : i32
        %sign3A_74 = arith.extui %sign3A_73 : i1 to i32
        %sign3A_75 = arith.subi %sign3A_71, %sign3A_74 : i32
        %sign3A_76 = arith.constant 0 : i32
        %sign3A_77 = arith.cmpi sgt, %jit3A_69, %sign3A_76 : i32
        %sign3A_78 = arith.extui %sign3A_77 : i1 to i32
        %sign3A_79 = arith.constant 0 : i32
        %sign3A_80 = arith.cmpi slt, %jit3A_69, %sign3A_79 : i32
        %sign3A_81 = arith.extui %sign3A_80 : i1 to i32
        %sign3A_82 = arith.subi %sign3A_78, %sign3A_81 : i32
        %ne3A_83 = arith.cmpi ne, %sign3A_75, %sign3A_82 : i32
        %rem3A_84 = arith.remsi %add3A_25, %jit3A_69 : i32
        %ne3A_85 = arith.constant 0 : i32
        %ne3A_86 = arith.cmpi ne, %rem3A_84, %ne3A_85 : i32
        %and3A_87 = arith.andi %ne3A_83, %ne3A_86 : i1
        %sub3A = arith.constant 1 : i32
        %sub3A_88 = arith.subi %div3A, %sub3A : i32
        %select_n3A_89 = arith.select %and3A_87, %sub3A_88, %div3A : i32
        %mul3A_90 = arith.constant 40 : i32
        %mul3A_91 = arith.muli %select_n3A_89, %mul3A_90 : i32
        "tpu.region"() ({
          %run_scoped3A_92 = tpu.sem_alloc : memref<!tpu.dma_semaphore, #tpu.memory_space<semaphore_mem>>
          %dma_start3A_93 = arith.constant 0 : i32
          %dma_start3A_94 = tpu.memref_slice %arg6[%add3A, %mul3A_91, %dma_start3A_93] : memref<32x640x64xf32, #tpu.memory_space<hbm>> -> memref<1x40x64xf32, #tpu.memory_space<hbm>>
          %dma_start3A_95 = tpu.memref_squeeze %dma_start3A_94 : memref<1x40x64xf32, #tpu.memory_space<hbm>> -> memref<40x64xf32, #tpu.memory_space<hbm>>
          %dma_start3A_96 = arith.constant 0 : i32
          %dma_start3A_97 = tpu.memref_slice %arg6[%add3A, %mul3A_91, %dma_start3A_96] : memref<32x640x64xf32, #tpu.memory_space<hbm>> -> memref<1x40x64xf32, #tpu.memory_space<hbm>>
          %dma_start3A_98 = tpu.memref_squeeze %dma_start3A_97 : memref<1x40x64xf32, #tpu.memory_space<hbm>> -> memref<40x64xf32, #tpu.memory_space<hbm>>
          tpu.enqueue_dma source(%dma_start3A_98 : memref<40x64xf32, #tpu.memory_space<hbm>>) target(%arg13 : memref<40x64xf32, #tpu.memory_space<vmem>>) target_semaphore(%run_scoped3A_92 : memref<!tpu.dma_semaphore, #tpu.memory_space<semaphore_mem>>)
          %dma_wait3A_99 = arith.constant 0 : i32
          %dma_wait3A_100 = tpu.memref_slice %arg6[%add3A, %mul3A_91, %dma_wait3A_99] : memref<32x640x64xf32, #tpu.memory_space<hbm>> -> memref<1x40x64xf32, #tpu.memory_space<hbm>>
          %dma_wait3A_101 = tpu.memref_squeeze %dma_wait3A_100 : memref<1x40x64xf32, #tpu.memory_space<hbm>> -> memref<40x64xf32, #tpu.memory_space<hbm>>
          %dma_wait3A_102 = arith.constant 0 : i32
          %dma_wait3A_103 = tpu.memref_slice %arg6[%add3A, %mul3A_91, %dma_wait3A_102] : memref<32x640x64xf32, #tpu.memory_space<hbm>> -> memref<1x40x64xf32, #tpu.memory_space<hbm>>
          %dma_wait3A_104 = tpu.memref_squeeze %dma_wait3A_103 : memref<1x40x64xf32, #tpu.memory_space<hbm>> -> memref<40x64xf32, #tpu.memory_space<hbm>>
          tpu.wait_dma2 semaphore(%run_scoped3A_92 : memref<!tpu.dma_semaphore, #tpu.memory_space<semaphore_mem>>) src(%dma_wait3A_104 : memref<40x64xf32, #tpu.memory_space<hbm>>) dst(%arg13 : memref<40x64xf32, #tpu.memory_space<vmem>>)
          tpu.yield
        }) : () -> ()
      } else {
      }
      %mul3A_38 = arith.constant 10000 : i32
      %mul3A_39 = arith.muli %add3A, %mul3A_38 : i32
      %mul3A_40 = arith.constant 16 : i32
      %mul3A_41 = arith.muli %add3A_25, %mul3A_40 : i32
      %add3A_42 = arith.addi %mul3A_39, %mul3A_41 : i32
      "tpu.region"() ({
        %run_scoped3A_69 = tpu.sem_alloc : memref<!tpu.dma_semaphore, #tpu.memory_space<semaphore_mem>>
        %dma_start3A_70 = tpu.memref_slice %arg4[%add3A_42] : memref<320000xi32, #tpu.memory_space<hbm>> -> memref<16xi32, #tpu.memory_space<hbm>>
        %dma_start3A_71 = tpu.memref_slice %arg4[%add3A_42] : memref<320000xi32, #tpu.memory_space<hbm>> -> memref<16xi32, #tpu.memory_space<hbm>>
        tpu.enqueue_dma source(%dma_start3A_71 : memref<16xi32, #tpu.memory_space<hbm>>) target(%arg8 : memref<16xi32, #tpu.memory_space<vmem>>) target_semaphore(%run_scoped3A_69 : memref<!tpu.dma_semaphore, #tpu.memory_space<semaphore_mem>>)
        %dma_wait3A_72 = tpu.memref_slice %arg4[%add3A_42] : memref<320000xi32, #tpu.memory_space<hbm>> -> memref<16xi32, #tpu.memory_space<hbm>>
        %dma_wait3A_73 = tpu.memref_slice %arg4[%add3A_42] : memref<320000xi32, #tpu.memory_space<hbm>> -> memref<16xi32, #tpu.memory_space<hbm>>
        tpu.wait_dma2 semaphore(%run_scoped3A_69 : memref<!tpu.dma_semaphore, #tpu.memory_space<semaphore_mem>>) src(%dma_wait3A_73 : memref<16xi32, #tpu.memory_space<hbm>>) dst(%arg8 : memref<16xi32, #tpu.memory_space<vmem>>)
        tpu.yield
      }) : () -> ()
      %run_scoped3A = arith.constant 0 : i32
      "tpu.region"() ({
        %run_scoped3A_69 = tpu.sem_alloc : memref<!tpu.dma_semaphore, #tpu.memory_space<semaphore_mem>>
        %dma_start3A_70 = arith.constant 0 : i32
        %dma_start3A_71 = tpu.memref_slice %arg9[%run_scoped3A, %dma_start3A_70] : memref<1x16xi32, #tpu.memory_space<vmem>> -> memref<1x16xi32, #tpu.memory_space<vmem>>
        %dma_start3A_72 = tpu.memref_squeeze %dma_start3A_71 : memref<1x16xi32, #tpu.memory_space<vmem>> -> memref<16xi32, #tpu.memory_space<vmem>>
        %dma_start3A_73 = tpu.memref_slice %arg5[%add3A_42] : memref<320000xi32, #tpu.memory_space<hbm>> -> memref<16xi32, #tpu.memory_space<hbm>>
        %dma_start3A_74 = arith.constant 0 : i32
        %dma_start3A_75 = tpu.memref_slice %arg9[%run_scoped3A, %dma_start3A_74] : memref<1x16xi32, #tpu.memory_space<vmem>> -> memref<1x16xi32, #tpu.memory_space<vmem>>
        %dma_start3A_76 = tpu.memref_squeeze %dma_start3A_75 : memref<1x16xi32, #tpu.memory_space<vmem>> -> memref<16xi32, #tpu.memory_space<vmem>>
        %dma_start3A_77 = tpu.memref_slice %arg5[%add3A_42] : memref<320000xi32, #tpu.memory_space<hbm>> -> memref<16xi32, #tpu.memory_space<hbm>>
        tpu.enqueue_dma source(%dma_start3A_77 : memref<16xi32, #tpu.memory_space<hbm>>) target(%dma_start3A_76 : memref<16xi32, #tpu.memory_space<vmem>>) target_semaphore(%run_scoped3A_69 : memref<!tpu.dma_semaphore, #tpu.memory_space<semaphore_mem>>)
        %dma_wait3A_78 = arith.constant 0 : i32
        %dma_wait3A_79 = tpu.memref_slice %arg9[%run_scoped3A, %dma_wait3A_78] : memref<1x16xi32, #tpu.memory_space<vmem>> -> memref<1x16xi32, #tpu.memory_space<vmem>>
        %dma_wait3A_80 = tpu.memref_squeeze %dma_wait3A_79 : memref<1x16xi32, #tpu.memory_space<vmem>> -> memref<16xi32, #tpu.memory_space<vmem>>
        %dma_wait3A_81 = tpu.memref_slice %arg5[%add3A_42] : memref<320000xi32, #tpu.memory_space<hbm>> -> memref<16xi32, #tpu.memory_space<hbm>>
        %dma_wait3A_82 = arith.constant 0 : i32
        %dma_wait3A_83 = tpu.memref_slice %arg9[%run_scoped3A, %dma_wait3A_82] : memref<1x16xi32, #tpu.memory_space<vmem>> -> memref<1x16xi32, #tpu.memory_space<vmem>>
        %dma_wait3A_84 = tpu.memref_squeeze %dma_wait3A_83 : memref<1x16xi32, #tpu.memory_space<vmem>> -> memref<16xi32, #tpu.memory_space<vmem>>
        %dma_wait3A_85 = tpu.memref_slice %arg5[%add3A_42] : memref<320000xi32, #tpu.memory_space<hbm>> -> memref<16xi32, #tpu.memory_space<hbm>>
        tpu.wait_dma2 semaphore(%run_scoped3A_69 : memref<!tpu.dma_semaphore, #tpu.memory_space<semaphore_mem>>) src(%dma_wait3A_85 : memref<16xi32, #tpu.memory_space<hbm>>) dst(%dma_wait3A_84 : memref<16xi32, #tpu.memory_space<vmem>>)
        tpu.yield
      }) : () -> ()
      %dma_start3A = arith.constant 0 : i32
      %dma_start3A_43 = arith.constant 0 : i32
      %dma_start3A_44 = arith.constant 0 : i32
      %dma_start3A_45 = tpu.memref_slice %arg2[%dma_start3A, %dma_start3A_43, %dma_start3A_44] : memref<10000x4x128xf32, #tpu.memory_space<hbm>> -> memref<10000x4x128xf32, #tpu.memory_space<hbm>>
      tpu.enqueue_indirect_dma source(%dma_start3A_45 : memref<10000x4x128xf32, #tpu.memory_space<hbm>>) target(%arg10 : memref<16x4x128xf32, #tpu.memory_space<vmem>>) offsets(%arg8 : memref<16xi32, #tpu.memory_space<vmem>>) semaphore(%arg15 : memref<!tpu.dma_semaphore, #tpu.memory_space<semaphore_mem>>)
      %dma_start3A_46 = arith.constant 0 : i32
      %dma_start3A_47 = arith.constant 0 : i32
      %dma_start3A_48 = tpu.memref_slice %arg9[%dma_start3A_46, %dma_start3A_47] : memref<1x16xi32, #tpu.memory_space<vmem>> -> memref<1x16xi32, #tpu.memory_space<vmem>>
      %dma_start3A_49 = tpu.memref_squeeze %dma_start3A_48 : memref<1x16xi32, #tpu.memory_space<vmem>> -> memref<16xi32, #tpu.memory_space<vmem>>
      %dma_start3A_50 = arith.constant 0 : i32
      %dma_start3A_51 = arith.constant 0 : i32
      %dma_start3A_52 = tpu.memref_slice %arg3[%dma_start3A_50, %dma_start3A_51] : memref<10240x128xf32, #tpu.memory_space<hbm>> -> memref<10240x128xf32, #tpu.memory_space<hbm>>
      tpu.enqueue_indirect_dma source(%dma_start3A_52 : memref<10240x128xf32, #tpu.memory_space<hbm>>) target(%arg11 : memref<16x128xf32, #tpu.memory_space<vmem>>) offsets(%dma_start3A_49 : memref<16xi32, #tpu.memory_space<vmem>>) semaphore(%arg15 : memref<!tpu.dma_semaphore, #tpu.memory_space<semaphore_mem>>)
      %dma_wait3A = arith.constant 0 : i32
      %dma_wait3A_53 = arith.constant 0 : i32
      %dma_wait3A_54 = arith.constant 0 : i32
      %dma_wait3A_55 = tpu.memref_slice %arg2[%dma_wait3A, %dma_wait3A_53, %dma_wait3A_54] : memref<10000x4x128xf32, #tpu.memory_space<hbm>> -> memref<10000x4x128xf32, #tpu.memory_space<hbm>>
      tpu.wait_indirect_dma semaphore(%arg15 : memref<!tpu.dma_semaphore, #tpu.memory_space<semaphore_mem>>) src(%dma_wait3A_55 : memref<10000x4x128xf32, #tpu.memory_space<hbm>>) dst(%arg10 : memref<16x4x128xf32, #tpu.memory_space<vmem>>)
      %dma_wait3A_56 = arith.constant 0 : i32
      %dma_wait3A_57 = arith.constant 0 : i32
      %dma_wait3A_58 = tpu.memref_slice %arg9[%dma_wait3A_56, %dma_wait3A_57] : memref<1x16xi32, #tpu.memory_space<vmem>> -> memref<1x16xi32, #tpu.memory_space<vmem>>
      %dma_wait3A_59 = tpu.memref_squeeze %dma_wait3A_58 : memref<1x16xi32, #tpu.memory_space<vmem>> -> memref<16xi32, #tpu.memory_space<vmem>>
      %dma_wait3A_60 = arith.constant 0 : i32
      %dma_wait3A_61 = arith.constant 0 : i32
      %dma_wait3A_62 = tpu.memref_slice %arg3[%dma_wait3A_60, %dma_wait3A_61] : memref<10240x128xf32, #tpu.memory_space<hbm>> -> memref<10240x128xf32, #tpu.memory_space<hbm>>
      tpu.wait_indirect_dma semaphore(%arg15 : memref<!tpu.dma_semaphore, #tpu.memory_space<semaphore_mem>>) src(%dma_wait3A_62 : memref<10240x128xf32, #tpu.memory_space<hbm>>) dst(%arg11 : memref<16x128xf32, #tpu.memory_space<vmem>>)
      %scan3A_63 = arith.constant 0 : i32
      %scan3A_64 = arith.constant 16 : i32
      %scan3A_65 = arith.addi %scan3A_63, %scan3A_64 : i32
      %scan3A_66 = arith.constant 1 : i32
      scf.for %scan3A_69 = %scan3A_63 to %scan3A_65 step %scan3A_66  : i32 {
        %mul3A_70 = arith.constant 1 : i32
        %mul3A_71 = arith.muli %scan3A_69, %mul3A_70 : i32
        %add3A_72 = arith.constant 0 : i32
        %add3A_73 = arith.addi %add3A_72, %mul3A_71 : i32
        %jit3A_74 = arith.constant 40 : i32
        %eq3A_75 = arith.constant 0 : i32
        %eq3A_76 = arith.cmpi eq, %jit3A_74, %eq3A_75 : i32
        %jit3A_77 = arith.constant 1 : i32
        %select_n3A_78 = arith.select %eq3A_76, %jit3A_77, %jit3A_74 : i32
        %rem3A_79 = arith.remsi %add3A_25, %select_n3A_78 : i32
        %ne3A_80 = arith.constant 0 : i32
        %ne3A_81 = arith.cmpi ne, %rem3A_79, %ne3A_80 : i32
        %lt3A_82 = arith.constant 0 : i32
        %lt3A_83 = arith.cmpi slt, %rem3A_79, %lt3A_82 : i32
        %lt3A_84 = arith.constant 0 : i32
        %lt3A_85 = arith.cmpi slt, %select_n3A_78, %lt3A_84 : i32
        %ne3A_86 = arith.xori %lt3A_83, %lt3A_85 : i1
        %and3A_87 = arith.andi %ne3A_86, %ne3A_81 : i1
        %add3A_88 = arith.addi %rem3A_79, %select_n3A_78 : i32
        %select_n3A_89 = arith.select %and3A_87, %add3A_88, %rem3A_79 : i32
        %mul3A_90 = arith.constant 4 : i32
        %mul3A_91 = arith.muli %add3A_73, %mul3A_90 : i32
        %and3A_92 = arith.constant 3 : i32
        %and3A_93 = vector.broadcast %and3A_92 : i32 to vector<16xi32>
        %and3A_94 = arith.andi %iota3A, %and3A_93 : vector<16xi32>
        %add3A_95 = vector.broadcast %mul3A_91 : i32 to vector<16xi32>
        %add3A_96 = arith.addi %add3A_95, %and3A_94 : vector<16xi32>
        %broadcast_in_dim3A_97 = vector.broadcast %select_n3A_89 : i32 to vector<16xi32>
        %gather3A = tpu.vector_load_idx %arg13[%broadcast_in_dim3A_97, %add3A_96] : memref<40x64xf32, #tpu.memory_space<vmem>>[vector<16xi32>, vector<16xi32>], vector<16xf32>,
        %broadcast_in_dim3A_98 = vector.broadcast %add3A_73 : i32 to vector<16xi32>
        %and3A_99 = arith.constant 3 : i32
        %and3A_100 = vector.broadcast %and3A_99 : i32 to vector<16xi32>
        %and3A_101 = arith.andi %iota3A, %and3A_100 : vector<16xi32>
        %mul3A_102 = arith.constant 32 : i32
        %mul3A_103 = vector.broadcast %mul3A_102 : i32 to vector<16xi32>
        %mul3A_104 = arith.muli %and3A_101, %mul3A_103 : vector<16xi32>
        %gather3A_105 = tpu.vector_load_idx %arg11[%broadcast_in_dim3A_98, %mul3A_104] : memref<16x128xf32, #tpu.memory_space<vmem>>[vector<16xi32>, vector<16xi32>], vector<16xf32>,
        %mul3A_106 = arith.mulf %gather3A, %gather3A_105 : vector<16xf32>
        %broadcast_in_dim3A_107 = arith.constant 0 : i32
        %broadcast_in_dim3A_108 = vector.broadcast %broadcast_in_dim3A_107 : i32 to vector<16xi32>
        %lt3A_109 = arith.constant 0 : i32
        %lt3A_110 = vector.broadcast %lt3A_109 : i32 to vector<16xi32>
        %lt3A_111 = arith.cmpi slt, %broadcast_in_dim3A_108, %lt3A_110 : vector<16xi32>
        %add3A_112 = arith.constant 16 : i32
        %add3A_113 = vector.broadcast %add3A_112 : i32 to vector<16xi32>
        %add3A_114 = arith.addi %broadcast_in_dim3A_108, %add3A_113 : vector<16xi32>
        %select_n3A_115 = arith.select %lt3A_111, %add3A_114, %broadcast_in_dim3A_108 : vector<16xi1>, vector<16xi32>
        %broadcast_in_dim3A_116 = vector.shape_cast %select_n3A_115 : vector<16xi32> to vector<16x1xi32>
        %gather3A_117 = vector.shape_cast %broadcast_in_dim3A_116 : vector<16x1xi32> to vector<16xi32>
        %gather3A_118 = tpu.dynamic_gather %mul3A_106[%gather3A_117] in [0] : vector<16xf32>, vector<16xi32> -> vector<16xf32>
        %broadcast_in_dim3A_119 = arith.constant 1 : i32
        %broadcast_in_dim3A_120 = vector.broadcast %broadcast_in_dim3A_119 : i32 to vector<16xi32>
        %lt3A_121 = arith.constant 0 : i32
        %lt3A_122 = vector.broadcast %lt3A_121 : i32 to vector<16xi32>
        %lt3A_123 = arith.cmpi slt, %broadcast_in_dim3A_120, %lt3A_122 : vector<16xi32>
        %add3A_124 = arith.constant 16 : i32
        %add3A_125 = vector.broadcast %add3A_124 : i32 to vector<16xi32>
        %add3A_126 = arith.addi %broadcast_in_dim3A_120, %add3A_125 : vector<16xi32>
        %select_n3A_127 = arith.select %lt3A_123, %add3A_126, %broadcast_in_dim3A_120 : vector<16xi1>, vector<16xi32>
        %broadcast_in_dim3A_128 = vector.shape_cast %select_n3A_127 : vector<16xi32> to vector<16x1xi32>
        %gather3A_129 = vector.shape_cast %broadcast_in_dim3A_128 : vector<16x1xi32> to vector<16xi32>
        %gather3A_130 = tpu.dynamic_gather %mul3A_106[%gather3A_129] in [0] : vector<16xf32>, vector<16xi32> -> vector<16xf32>
        %broadcast_in_dim3A_131 = arith.constant 2 : i32
        %broadcast_in_dim3A_132 = vector.broadcast %broadcast_in_dim3A_131 : i32 to vector<16xi32>
        %lt3A_133 = arith.constant 0 : i32
        %lt3A_134 = vector.broadcast %lt3A_133 : i32 to vector<16xi32>
        %lt3A_135 = arith.cmpi slt, %broadcast_in_dim3A_132, %lt3A_134 : vector<16xi32>
        %add3A_136 = arith.constant 16 : i32
        %add3A_137 = vector.broadcast %add3A_136 : i32 to vector<16xi32>
        %add3A_138 = arith.addi %broadcast_in_dim3A_132, %add3A_137 : vector<16xi32>
        %select_n3A_139 = arith.select %lt3A_135, %add3A_138, %broadcast_in_dim3A_132 : vector<16xi1>, vector<16xi32>
        %broadcast_in_dim3A_140 = vector.shape_cast %select_n3A_139 : vector<16xi32> to vector<16x1xi32>
        %gather3A_141 = vector.shape_cast %broadcast_in_dim3A_140 : vector<16x1xi32> to vector<16xi32>
        %gather3A_142 = tpu.dynamic_gather %mul3A_106[%gather3A_141] in [0] : vector<16xf32>, vector<16xi32> -> vector<16xf32>
        %broadcast_in_dim3A_143 = arith.constant 3 : i32
        %broadcast_in_dim3A_144 = vector.broadcast %broadcast_in_dim3A_143 : i32 to vector<16xi32>
        %lt3A_145 = arith.constant 0 : i32
        %lt3A_146 = vector.broadcast %lt3A_145 : i32 to vector<16xi32>
        %lt3A_147 = arith.cmpi slt, %broadcast_in_dim3A_144, %lt3A_146 : vector<16xi32>
        %add3A_148 = arith.constant 16 : i32
        %add3A_149 = vector.broadcast %add3A_148 : i32 to vector<16xi32>
        %add3A_150 = arith.addi %broadcast_in_dim3A_144, %add3A_149 : vector<16xi32>
        %select_n3A_151 = arith.select %lt3A_147, %add3A_150, %broadcast_in_dim3A_144 : vector<16xi1>, vector<16xi32>
        %broadcast_in_dim3A_152 = vector.shape_cast %select_n3A_151 : vector<16xi32> to vector<16x1xi32>
        %gather3A_153 = vector.shape_cast %broadcast_in_dim3A_152 : vector<16x1xi32> to vector<16xi32>
        %gather3A_154 = tpu.dynamic_gather %mul3A_106[%gather3A_153] in [0] : vector<16xf32>, vector<16xi32> -> vector<16xf32>
        %get3A = arith.constant 0 : i32
        %get3A_155 = arith.index_cast %add3A_73 : i32 to index
        %get3A_156 = arith.index_cast %get3A : i32 to index
        %get3A_157 = arith.constant 0 : index
        %get3A_158 = tpu.vector_load %arg10[%get3A_155, %get3A_156, %get3A_157] {strides = array<i32>} : memref<16x4x128xf32, #tpu.memory_space<vmem>>, vector<16xf32>,
        %mul3A_159 = arith.mulf %gather3A_118, %get3A_158 : vector<16xf32>
        %get3A_160 = arith.constant 1 : i32
        %get3A_161 = arith.index_cast %add3A_73 : i32 to index
        %get3A_162 = arith.index_cast %get3A_160 : i32 to index
        %get3A_163 = arith.constant 0 : index
        %get3A_164 = tpu.vector_load %arg10[%get3A_161, %get3A_162, %get3A_163] {strides = array<i32>} : memref<16x4x128xf32, #tpu.memory_space<vmem>>, vector<16xf32>,
        %mul3A_165 = arith.mulf %gather3A_130, %get3A_164 : vector<16xf32>
        %add3A_166 = arith.addf %mul3A_159, %mul3A_165 : vector<16xf32>
        %get3A_167 = arith.constant 2 : i32
        %get3A_168 = arith.index_cast %add3A_73 : i32 to index
        %get3A_169 = arith.index_cast %get3A_167 : i32 to index
        %get3A_170 = arith.constant 0 : index
        %get3A_171 = tpu.vector_load %arg10[%get3A_168, %get3A_169, %get3A_170] {strides = array<i32>} : memref<16x4x128xf32, #tpu.memory_space<vmem>>, vector<16xf32>,
        %mul3A_172 = arith.mulf %gather3A_142, %get3A_171 : vector<16xf32>
        %add3A_173 = arith.addf %add3A_166, %mul3A_172 : vector<16xf32>
        %get3A_174 = arith.constant 3 : i32
        %get3A_175 = arith.index_cast %add3A_73 : i32 to index
        %get3A_176 = arith.index_cast %get3A_174 : i32 to index
        %get3A_177 = arith.constant 0 : index
        %get3A_178 = tpu.vector_load %arg10[%get3A_175, %get3A_176, %get3A_177] {strides = array<i32>} : memref<16x4x128xf32, #tpu.memory_space<vmem>>, vector<16xf32>,
        %mul3A_179 = arith.mulf %gather3A_154, %get3A_178 : vector<16xf32>
        %add3A_180 = arith.addf %add3A_173, %mul3A_179 : vector<16xf32>
        %swap3A = arith.index_cast %add3A_73 : i32 to index
        %swap3A_181 = arith.constant 0 : index
        %swap3A_182 = tpu.vector_load %arg12[%swap3A, %swap3A_181] {strides = array<i32>} : memref<16x128xf32, #tpu.memory_space<vmem>>, vector<16xf32>,
        tpu.vector_store %arg12[%swap3A, %swap3A_181], %add3A_180 {strides = array<i32>} : memref<16x128xf32, #tpu.memory_space<vmem>>, vector<16xf32>,
        %get3A_183 = arith.constant 0 : i32
        %get3A_184 = arith.index_cast %add3A_73 : i32 to index
        %get3A_185 = arith.index_cast %get3A_183 : i32 to index
        %get3A_186 = arith.constant 16 : index
        %get3A_187 = tpu.vector_load %arg10[%get3A_184, %get3A_185, %get3A_186] {strides = array<i32>} : memref<16x4x128xf32, #tpu.memory_space<vmem>>, vector<16xf32>,
        %mul3A_188 = arith.mulf %gather3A_118, %get3A_187 : vector<16xf32>
        %get3A_189 = arith.constant 1 : i32
        %get3A_190 = arith.index_cast %add3A_73 : i32 to index
        %get3A_191 = arith.index_cast %get3A_189 : i32 to index
        %get3A_192 = arith.constant 16 : index
        %get3A_193 = tpu.vector_load %arg10[%get3A_190, %get3A_191, %get3A_192] {strides = array<i32>} : memref<16x4x128xf32, #tpu.memory_space<vmem>>, vector<16xf32>,
        %mul3A_194 = arith.mulf %gather3A_130, %get3A_193 : vector<16xf32>
        %add3A_195 = arith.addf %mul3A_188, %mul3A_194 : vector<16xf32>
        %get3A_196 = arith.constant 2 : i32
        %get3A_197 = arith.index_cast %add3A_73 : i32 to index
        %get3A_198 = arith.index_cast %get3A_196 : i32 to index
        %get3A_199 = arith.constant 16 : index
        %get3A_200 = tpu.vector_load %arg10[%get3A_197, %get3A_198, %get3A_199] {strides = array<i32>} : memref<16x4x128xf32, #tpu.memory_space<vmem>>, vector<16xf32>,
        %mul3A_201 = arith.mulf %gather3A_142, %get3A_200 : vector<16xf32>
        %add3A_202 = arith.addf %add3A_195, %mul3A_201 : vector<16xf32>
        %get3A_203 = arith.constant 3 : i32
        %get3A_204 = arith.index_cast %add3A_73 : i32 to index
        %get3A_205 = arith.index_cast %get3A_203 : i32 to index
        %get3A_206 = arith.constant 16 : index
        %get3A_207 = tpu.vector_load %arg10[%get3A_204, %get3A_205, %get3A_206] {strides = array<i32>} : memref<16x4x128xf32, #tpu.memory_space<vmem>>, vector<16xf32>,
        %mul3A_208 = arith.mulf %gather3A_154, %get3A_207 : vector<16xf32>
        %add3A_209 = arith.addf %add3A_202, %mul3A_208 : vector<16xf32>
        %swap3A_210 = arith.index_cast %add3A_73 : i32 to index
        %swap3A_211 = arith.constant 16 : index
        %swap3A_212 = tpu.vector_load %arg12[%swap3A_210, %swap3A_211] {strides = array<i32>} : memref<16x128xf32, #tpu.memory_space<vmem>>, vector<16xf32>,
        tpu.vector_store %arg12[%swap3A_210, %swap3A_211], %add3A_209 {strides = array<i32>} : memref<16x128xf32, #tpu.memory_space<vmem>>, vector<16xf32>,
        %get3A_213 = arith.constant 0 : i32
        %get3A_214 = arith.index_cast %add3A_73 : i32 to index
        %get3A_215 = arith.index_cast %get3A_213 : i32 to index
        %get3A_216 = arith.constant 32 : index
        %get3A_217 = tpu.vector_load %arg10[%get3A_214, %get3A_215, %get3A_216] {strides = array<i32>} : memref<16x4x128xf32, #tpu.memory_space<vmem>>, vector<16xf32>,
        %mul3A_218 = arith.mulf %gather3A_118, %get3A_217 : vector<16xf32>
        %get3A_219 = arith.constant 1 : i32
        %get3A_220 = arith.index_cast %add3A_73 : i32 to index
        %get3A_221 = arith.index_cast %get3A_219 : i32 to index
        %get3A_222 = arith.constant 32 : index
        %get3A_223 = tpu.vector_load %arg10[%get3A_220, %get3A_221, %get3A_222] {strides = array<i32>} : memref<16x4x128xf32, #tpu.memory_space<vmem>>, vector<16xf32>,
        %mul3A_224 = arith.mulf %gather3A_130, %get3A_223 : vector<16xf32>
        %add3A_225 = arith.addf %mul3A_218, %mul3A_224 : vector<16xf32>
        %get3A_226 = arith.constant 2 : i32
        %get3A_227 = arith.index_cast %add3A_73 : i32 to index
        %get3A_228 = arith.index_cast %get3A_226 : i32 to index
        %get3A_229 = arith.constant 32 : index
        %get3A_230 = tpu.vector_load %arg10[%get3A_227, %get3A_228, %get3A_229] {strides = array<i32>} : memref<16x4x128xf32, #tpu.memory_space<vmem>>, vector<16xf32>,
        %mul3A_231 = arith.mulf %gather3A_142, %get3A_230 : vector<16xf32>
        %add3A_232 = arith.addf %add3A_225, %mul3A_231 : vector<16xf32>
        %get3A_233 = arith.constant 3 : i32
        %get3A_234 = arith.index_cast %add3A_73 : i32 to index
        %get3A_235 = arith.index_cast %get3A_233 : i32 to index
        %get3A_236 = arith.constant 32 : index
        %get3A_237 = tpu.vector_load %arg10[%get3A_234, %get3A_235, %get3A_236] {strides = array<i32>} : memref<16x4x128xf32, #tpu.memory_space<vmem>>, vector<16xf32>,
        %mul3A_238 = arith.mulf %gather3A_154, %get3A_237 : vector<16xf32>
        %add3A_239 = arith.addf %add3A_232, %mul3A_238 : vector<16xf32>
        %swap3A_240 = arith.index_cast %add3A_73 : i32 to index
        %swap3A_241 = arith.constant 32 : index
        %swap3A_242 = tpu.vector_load %arg12[%swap3A_240, %swap3A_241] {strides = array<i32>} : memref<16x128xf32, #tpu.memory_space<vmem>>, vector<16xf32>,
        tpu.vector_store %arg12[%swap3A_240, %swap3A_241], %add3A_239 {strides = array<i32>} : memref<16x128xf32, #tpu.memory_space<vmem>>, vector<16xf32>,
        %get3A_243 = arith.constant 0 : i32
        %get3A_244 = arith.index_cast %add3A_73 : i32 to index
        %get3A_245 = arith.index_cast %get3A_243 : i32 to index
        %get3A_246 = arith.constant 48 : index
        %get3A_247 = tpu.vector_load %arg10[%get3A_244, %get3A_245, %get3A_246] {strides = array<i32>} : memref<16x4x128xf32, #tpu.memory_space<vmem>>, vector<16xf32>,
        %mul3A_248 = arith.mulf %gather3A_118, %get3A_247 : vector<16xf32>
        %get3A_249 = arith.constant 1 : i32
        %get3A_250 = arith.index_cast %add3A_73 : i32 to index
        %get3A_251 = arith.index_cast %get3A_249 : i32 to index
        %get3A_252 = arith.constant 48 : index
        %get3A_253 = tpu.vector_load %arg10[%get3A_250, %get3A_251, %get3A_252] {strides = array<i32>} : memref<16x4x128xf32, #tpu.memory_space<vmem>>, vector<16xf32>,
        %mul3A_254 = arith.mulf %gather3A_130, %get3A_253 : vector<16xf32>
        %add3A_255 = arith.addf %mul3A_248, %mul3A_254 : vector<16xf32>
        %get3A_256 = arith.constant 2 : i32
        %get3A_257 = arith.index_cast %add3A_73 : i32 to index
        %get3A_258 = arith.index_cast %get3A_256 : i32 to index
        %get3A_259 = arith.constant 48 : index
        %get3A_260 = tpu.vector_load %arg10[%get3A_257, %get3A_258, %get3A_259] {strides = array<i32>} : memref<16x4x128xf32, #tpu.memory_space<vmem>>, vector<16xf32>,
        %mul3A_261 = arith.mulf %gather3A_142, %get3A_260 : vector<16xf32>
        %add3A_262 = arith.addf %add3A_255, %mul3A_261 : vector<16xf32>
        %get3A_263 = arith.constant 3 : i32
        %get3A_264 = arith.index_cast %add3A_73 : i32 to index
        %get3A_265 = arith.index_cast %get3A_263 : i32 to index
        %get3A_266 = arith.constant 48 : index
        %get3A_267 = tpu.vector_load %arg10[%get3A_264, %get3A_265, %get3A_266] {strides = array<i32>} : memref<16x4x128xf32, #tpu.memory_space<vmem>>, vector<16xf32>,
        %mul3A_268 = arith.mulf %gather3A_154, %get3A_267 : vector<16xf32>
        %add3A_269 = arith.addf %add3A_262, %mul3A_268 : vector<16xf32>
        %swap3A_270 = arith.index_cast %add3A_73 : i32 to index
        %swap3A_271 = arith.constant 48 : index
        %swap3A_272 = tpu.vector_load %arg12[%swap3A_270, %swap3A_271] {strides = array<i32>} : memref<16x128xf32, #tpu.memory_space<vmem>>, vector<16xf32>,
        tpu.vector_store %arg12[%swap3A_270, %swap3A_271], %add3A_269 {strides = array<i32>} : memref<16x128xf32, #tpu.memory_space<vmem>>, vector<16xf32>,
        %get3A_273 = arith.constant 0 : i32
        %get3A_274 = arith.index_cast %add3A_73 : i32 to index
        %get3A_275 = arith.index_cast %get3A_273 : i32 to index
        %get3A_276 = arith.constant 64 : index
        %get3A_277 = tpu.vector_load %arg10[%get3A_274, %get3A_275, %get3A_276] {strides = array<i32>} : memref<16x4x128xf32, #tpu.memory_space<vmem>>, vector<16xf32>,
        %mul3A_278 = arith.mulf %gather3A_118, %get3A_277 : vector<16xf32>
        %get3A_279 = arith.constant 1 : i32
        %get3A_280 = arith.index_cast %add3A_73 : i32 to index
        %get3A_281 = arith.index_cast %get3A_279 : i32 to index
        %get3A_282 = arith.constant 64 : index
        %get3A_283 = tpu.vector_load %arg10[%get3A_280, %get3A_281, %get3A_282] {strides = array<i32>} : memref<16x4x128xf32, #tpu.memory_space<vmem>>, vector<16xf32>,
        %mul3A_284 = arith.mulf %gather3A_130, %get3A_283 : vector<16xf32>
        %add3A_285 = arith.addf %mul3A_278, %mul3A_284 : vector<16xf32>
        %get3A_286 = arith.constant 2 : i32
        %get3A_287 = arith.index_cast %add3A_73 : i32 to index
        %get3A_288 = arith.index_cast %get3A_286 : i32 to index
        %get3A_289 = arith.constant 64 : index
        %get3A_290 = tpu.vector_load %arg10[%get3A_287, %get3A_288, %get3A_289] {strides = array<i32>} : memref<16x4x128xf32, #tpu.memory_space<vmem>>, vector<16xf32>,
        %mul3A_291 = arith.mulf %gather3A_142, %get3A_290 : vector<16xf32>
        %add3A_292 = arith.addf %add3A_285, %mul3A_291 : vector<16xf32>
        %get3A_293 = arith.constant 3 : i32
        %get3A_294 = arith.index_cast %add3A_73 : i32 to index
        %get3A_295 = arith.index_cast %get3A_293 : i32 to index
        %get3A_296 = arith.constant 64 : index
        %get3A_297 = tpu.vector_load %arg10[%get3A_294, %get3A_295, %get3A_296] {strides = array<i32>} : memref<16x4x128xf32, #tpu.memory_space<vmem>>, vector<16xf32>,
        %mul3A_298 = arith.mulf %gather3A_154, %get3A_297 : vector<16xf32>
        %add3A_299 = arith.addf %add3A_292, %mul3A_298 : vector<16xf32>
        %swap3A_300 = arith.index_cast %add3A_73 : i32 to index
        %swap3A_301 = arith.constant 64 : index
        %swap3A_302 = tpu.vector_load %arg12[%swap3A_300, %swap3A_301] {strides = array<i32>} : memref<16x128xf32, #tpu.memory_space<vmem>>, vector<16xf32>,
        tpu.vector_store %arg12[%swap3A_300, %swap3A_301], %add3A_299 {strides = array<i32>} : memref<16x128xf32, #tpu.memory_space<vmem>>, vector<16xf32>,
        %get3A_303 = arith.constant 0 : i32
        %get3A_304 = arith.index_cast %add3A_73 : i32 to index
        %get3A_305 = arith.index_cast %get3A_303 : i32 to index
        %get3A_306 = arith.constant 80 : index
        %get3A_307 = tpu.vector_load %arg10[%get3A_304, %get3A_305, %get3A_306] {strides = array<i32>} : memref<16x4x128xf32, #tpu.memory_space<vmem>>, vector<16xf32>,
        %mul3A_308 = arith.mulf %gather3A_118, %get3A_307 : vector<16xf32>
        %get3A_309 = arith.constant 1 : i32
        %get3A_310 = arith.index_cast %add3A_73 : i32 to index
        %get3A_311 = arith.index_cast %get3A_309 : i32 to index
        %get3A_312 = arith.constant 80 : index
        %get3A_313 = tpu.vector_load %arg10[%get3A_310, %get3A_311, %get3A_312] {strides = array<i32>} : memref<16x4x128xf32, #tpu.memory_space<vmem>>, vector<16xf32>,
        %mul3A_314 = arith.mulf %gather3A_130, %get3A_313 : vector<16xf32>
        %add3A_315 = arith.addf %mul3A_308, %mul3A_314 : vector<16xf32>
        %get3A_316 = arith.constant 2 : i32
        %get3A_317 = arith.index_cast %add3A_73 : i32 to index
        %get3A_318 = arith.index_cast %get3A_316 : i32 to index
        %get3A_319 = arith.constant 80 : index
        %get3A_320 = tpu.vector_load %arg10[%get3A_317, %get3A_318, %get3A_319] {strides = array<i32>} : memref<16x4x128xf32, #tpu.memory_space<vmem>>, vector<16xf32>,
        %mul3A_321 = arith.mulf %gather3A_142, %get3A_320 : vector<16xf32>
        %add3A_322 = arith.addf %add3A_315, %mul3A_321 : vector<16xf32>
        %get3A_323 = arith.constant 3 : i32
        %get3A_324 = arith.index_cast %add3A_73 : i32 to index
        %get3A_325 = arith.index_cast %get3A_323 : i32 to index
        %get3A_326 = arith.constant 80 : index
        %get3A_327 = tpu.vector_load %arg10[%get3A_324, %get3A_325, %get3A_326] {strides = array<i32>} : memref<16x4x128xf32, #tpu.memory_space<vmem>>, vector<16xf32>,
        %mul3A_328 = arith.mulf %gather3A_154, %get3A_327 : vector<16xf32>
        %add3A_329 = arith.addf %add3A_322, %mul3A_328 : vector<16xf32>
        %swap3A_330 = arith.index_cast %add3A_73 : i32 to index
        %swap3A_331 = arith.constant 80 : index
        %swap3A_332 = tpu.vector_load %arg12[%swap3A_330, %swap3A_331] {strides = array<i32>} : memref<16x128xf32, #tpu.memory_space<vmem>>, vector<16xf32>,
        tpu.vector_store %arg12[%swap3A_330, %swap3A_331], %add3A_329 {strides = array<i32>} : memref<16x128xf32, #tpu.memory_space<vmem>>, vector<16xf32>,
        %get3A_333 = arith.constant 0 : i32
        %get3A_334 = arith.index_cast %add3A_73 : i32 to index
        %get3A_335 = arith.index_cast %get3A_333 : i32 to index
        %get3A_336 = arith.constant 96 : index
        %get3A_337 = tpu.vector_load %arg10[%get3A_334, %get3A_335, %get3A_336] {strides = array<i32>} : memref<16x4x128xf32, #tpu.memory_space<vmem>>, vector<16xf32>,
        %mul3A_338 = arith.mulf %gather3A_118, %get3A_337 : vector<16xf32>
        %get3A_339 = arith.constant 1 : i32
        %get3A_340 = arith.index_cast %add3A_73 : i32 to index
        %get3A_341 = arith.index_cast %get3A_339 : i32 to index
        %get3A_342 = arith.constant 96 : index
        %get3A_343 = tpu.vector_load %arg10[%get3A_340, %get3A_341, %get3A_342] {strides = array<i32>} : memref<16x4x128xf32, #tpu.memory_space<vmem>>, vector<16xf32>,
        %mul3A_344 = arith.mulf %gather3A_130, %get3A_343 : vector<16xf32>
        %add3A_345 = arith.addf %mul3A_338, %mul3A_344 : vector<16xf32>
        %get3A_346 = arith.constant 2 : i32
        %get3A_347 = arith.index_cast %add3A_73 : i32 to index
        %get3A_348 = arith.index_cast %get3A_346 : i32 to index
        %get3A_349 = arith.constant 96 : index
        %get3A_350 = tpu.vector_load %arg10[%get3A_347, %get3A_348, %get3A_349] {strides = array<i32>} : memref<16x4x128xf32, #tpu.memory_space<vmem>>, vector<16xf32>,
        %mul3A_351 = arith.mulf %gather3A_142, %get3A_350 : vector<16xf32>
        %add3A_352 = arith.addf %add3A_345, %mul3A_351 : vector<16xf32>
        %get3A_353 = arith.constant 3 : i32
        %get3A_354 = arith.index_cast %add3A_73 : i32 to index
        %get3A_355 = arith.index_cast %get3A_353 : i32 to index
        %get3A_356 = arith.constant 96 : index
        %get3A_357 = tpu.vector_load %arg10[%get3A_354, %get3A_355, %get3A_356] {strides = array<i32>} : memref<16x4x128xf32, #tpu.memory_space<vmem>>, vector<16xf32>,
        %mul3A_358 = arith.mulf %gather3A_154, %get3A_357 : vector<16xf32>
        %add3A_359 = arith.addf %add3A_352, %mul3A_358 : vector<16xf32>
        %swap3A_360 = arith.index_cast %add3A_73 : i32 to index
        %swap3A_361 = arith.constant 96 : index
        %swap3A_362 = tpu.vector_load %arg12[%swap3A_360, %swap3A_361] {strides = array<i32>} : memref<16x128xf32, #tpu.memory_space<vmem>>, vector<16xf32>,
        tpu.vector_store %arg12[%swap3A_360, %swap3A_361], %add3A_359 {strides = array<i32>} : memref<16x128xf32, #tpu.memory_space<vmem>>, vector<16xf32>,
        %get3A_363 = arith.constant 0 : i32
        %get3A_364 = arith.index_cast %add3A_73 : i32 to index
        %get3A_365 = arith.index_cast %get3A_363 : i32 to index
        %get3A_366 = arith.constant 112 : index
        %get3A_367 = tpu.vector_load %arg10[%get3A_364, %get3A_365, %get3A_366] {strides = array<i32>} : memref<16x4x128xf32, #tpu.memory_space<vmem>>, vector<16xf32>,
        %mul3A_368 = arith.mulf %gather3A_118, %get3A_367 : vector<16xf32>
        %get3A_369 = arith.constant 1 : i32
        %get3A_370 = arith.index_cast %add3A_73 : i32 to index
        %get3A_371 = arith.index_cast %get3A_369 : i32 to index
        %get3A_372 = arith.constant 112 : index
        %get3A_373 = tpu.vector_load %arg10[%get3A_370, %get3A_371, %get3A_372] {strides = array<i32>} : memref<16x4x128xf32, #tpu.memory_space<vmem>>, vector<16xf32>,
        %mul3A_374 = arith.mulf %gather3A_130, %get3A_373 : vector<16xf32>
        %add3A_375 = arith.addf %mul3A_368, %mul3A_374 : vector<16xf32>
        %get3A_376 = arith.constant 2 : i32
        %get3A_377 = arith.index_cast %add3A_73 : i32 to index
        %get3A_378 = arith.index_cast %get3A_376 : i32 to index
        %get3A_379 = arith.constant 112 : index
        %get3A_380 = tpu.vector_load %arg10[%get3A_377, %get3A_378, %get3A_379] {strides = array<i32>} : memref<16x4x128xf32, #tpu.memory_space<vmem>>, vector<16xf32>,
        %mul3A_381 = arith.mulf %gather3A_142, %get3A_380 : vector<16xf32>
        %add3A_382 = arith.addf %add3A_375, %mul3A_381 : vector<16xf32>
        %get3A_383 = arith.constant 3 : i32
        %get3A_384 = arith.index_cast %add3A_73 : i32 to index
        %get3A_385 = arith.index_cast %get3A_383 : i32 to index
        %get3A_386 = arith.constant 112 : index
        %get3A_387 = tpu.vector_load %arg10[%get3A_384, %get3A_385, %get3A_386] {strides = array<i32>} : memref<16x4x128xf32, #tpu.memory_space<vmem>>, vector<16xf32>,
        %mul3A_388 = arith.mulf %gather3A_154, %get3A_387 : vector<16xf32>
        %add3A_389 = arith.addf %add3A_382, %mul3A_388 : vector<16xf32>
        %swap3A_390 = arith.index_cast %add3A_73 : i32 to index
        %swap3A_391 = arith.constant 112 : index
        %swap3A_392 = tpu.vector_load %arg12[%swap3A_390, %swap3A_391] {strides = array<i32>} : memref<16x128xf32, #tpu.memory_space<vmem>>, vector<16xf32>,
        tpu.vector_store %arg12[%swap3A_390, %swap3A_391], %add3A_389 {strides = array<i32>} : memref<16x128xf32, #tpu.memory_space<vmem>>, vector<16xf32>,
      }
      %scan3A_67 = arith.constant 16 : i32
      %run_scoped3A_68 = arith.constant 0 : i32
      "tpu.region"() ({
        %run_scoped3A_69 = tpu.sem_alloc : memref<!tpu.dma_semaphore, #tpu.memory_space<semaphore_mem>>
        %dma_start3A_70 = arith.constant 0 : i32
        %dma_start3A_71 = tpu.memref_slice %arg9[%run_scoped3A_68, %dma_start3A_70] : memref<1x16xi32, #tpu.memory_space<vmem>> -> memref<1x16xi32, #tpu.memory_space<vmem>>
        %dma_start3A_72 = tpu.memref_squeeze %dma_start3A_71 : memref<1x16xi32, #tpu.memory_space<vmem>> -> memref<16xi32, #tpu.memory_space<vmem>>
        %dma_start3A_73 = arith.constant 0 : i32
        %dma_start3A_74 = arith.constant 0 : i32
        %dma_start3A_75 = tpu.memref_slice %arg14[%dma_start3A_73, %dma_start3A_74] : memref<10240x128xf32, #tpu.memory_space<vmem_shared>> -> memref<10240x128xf32, #tpu.memory_space<vmem_shared>>
        tpu.enqueue_indirect_dma source(%arg12 : memref<16x128xf32, #tpu.memory_space<vmem>>) target(%dma_start3A_75 : memref<10240x128xf32, #tpu.memory_space<vmem_shared>>) offsets(%dma_start3A_72 : memref<16xi32, #tpu.memory_space<vmem>>) semaphore(%run_scoped3A_69 : memref<!tpu.dma_semaphore, #tpu.memory_space<semaphore_mem>>) {add = true}
        %dma_wait3A_76 = arith.constant 0 : i32
        %dma_wait3A_77 = tpu.memref_slice %arg9[%run_scoped3A_68, %dma_wait3A_76] : memref<1x16xi32, #tpu.memory_space<vmem>> -> memref<1x16xi32, #tpu.memory_space<vmem>>
        %dma_wait3A_78 = tpu.memref_squeeze %dma_wait3A_77 : memref<1x16xi32, #tpu.memory_space<vmem>> -> memref<16xi32, #tpu.memory_space<vmem>>
        %dma_wait3A_79 = arith.constant 0 : i32
        %dma_wait3A_80 = arith.constant 0 : i32
        %dma_wait3A_81 = tpu.memref_slice %arg14[%dma_wait3A_79, %dma_wait3A_80] : memref<10240x128xf32, #tpu.memory_space<vmem_shared>> -> memref<10240x128xf32, #tpu.memory_space<vmem_shared>>
        tpu.wait_indirect_dma semaphore(%run_scoped3A_69 : memref<!tpu.dma_semaphore, #tpu.memory_space<semaphore_mem>>) src(%arg12 : memref<16x128xf32, #tpu.memory_space<vmem>>) dst(%dma_wait3A_81 : memref<10240x128xf32, #tpu.memory_space<vmem_shared>>)
        tpu.yield
      }) : () -> ()
    }
    %scan3A_15 = arith.constant 625 : i32
    %barrier3A_16 = arith.constant 0 : index
    tpu.barrier barrier_id(%barrier3A_16)
    %mul3A_17 = arith.constant 640 : i32
    %mul3A_18 = arith.muli %arg1, %mul3A_17 : i32
    %mul3A_19 = arith.constant 640 : i32
    %mul3A_20 = arith.muli %arg1, %mul3A_19 : i32
    "tpu.region"() ({
      %run_scoped3A = tpu.sem_alloc : memref<!tpu.dma_semaphore, #tpu.memory_space<semaphore_mem>>
      %dma_start3A = arith.constant 0 : i32
      %dma_start3A_21 = tpu.memref_slice %arg7[%arg0, %mul3A_20, %dma_start3A] : memref<2x10240x128xf32, #tpu.memory_space<hbm>> -> memref<1x640x128xf32, #tpu.memory_space<hbm>>
      %dma_start3A_22 = tpu.memref_squeeze %dma_start3A_21 : memref<1x640x128xf32, #tpu.memory_space<hbm>> -> memref<640x128xf32, #tpu.memory_space<hbm>>
      %dma_start3A_23 = arith.constant 0 : i32
      %dma_start3A_24 = tpu.memref_slice %arg14[%mul3A_18, %dma_start3A_23] : memref<10240x128xf32, #tpu.memory_space<vmem_shared>> -> memref<640x128xf32, #tpu.memory_space<vmem_shared>>
      tpu.enqueue_dma source(%dma_start3A_24 : memref<640x128xf32, #tpu.memory_space<vmem_shared>>) target(%dma_start3A_22 : memref<640x128xf32, #tpu.memory_space<hbm>>) target_semaphore(%run_scoped3A : memref<!tpu.dma_semaphore, #tpu.memory_space<semaphore_mem>>)
      %dma_wait3A = arith.constant 0 : i32
      %dma_wait3A_25 = tpu.memref_slice %arg7[%arg0, %mul3A_20, %dma_wait3A] : memref<2x10240x128xf32, #tpu.memory_space<hbm>> -> memref<1x640x128xf32, #tpu.memory_space<hbm>>
      %dma_wait3A_26 = tpu.memref_squeeze %dma_wait3A_25 : memref<1x640x128xf32, #tpu.memory_space<hbm>> -> memref<640x128xf32, #tpu.memory_space<hbm>>
      %dma_wait3A_27 = arith.constant 0 : i32
      %dma_wait3A_28 = tpu.memref_slice %arg14[%mul3A_18, %dma_wait3A_27] : memref<10240x128xf32, #tpu.memory_space<vmem_shared>> -> memref<640x128xf32, #tpu.memory_space<vmem_shared>>
      tpu.wait_dma2 semaphore(%run_scoped3A : memref<!tpu.dma_semaphore, #tpu.memory_space<semaphore_mem>>) src(%dma_wait3A_28 : memref<640x128xf32, #tpu.memory_space<vmem_shared>>) dst(%dma_wait3A_26 : memref<640x128xf32, #tpu.memory_space<hbm>>)
      tpu.yield
    }) : () -> ()
    return
  }
}

#map = affine_map<(d0, d1) -> (0, 0)>
#map1 = affine_map<(d0, d1) -> (0)>
#map2 = affine_map<(d0, d1) -> (0, 0, 0)>
module attributes {stable_mosaic.version = 14 : i64} {
  func.func @_p1_body(%arg0: i32, %arg1: i32, %arg2: memref<10000x128xf32, #tpu.memory_space<hbm>>, %arg3: memref<10000x128xf32, #tpu.memory_space<hbm>>, %arg4: memref<320000xi32, #tpu.memory_space<hbm>>, %arg5: memref<320000xi32, #tpu.memory_space<hbm>>, %arg6: memref<32x640x64xf32, #tpu.memory_space<hbm>>, %arg7: memref<2x320x128xf32, #tpu.memory_space<hbm>>, %arg8: memref<80xi32, #tpu.memory_space<vmem>>, %arg9: memref<1x80xi32, #tpu.memory_space<vmem>>, %arg10: memref<1x80xi32, #tpu.memory_space<vmem>>, %arg11: memref<80x128xf32, #tpu.memory_space<vmem>>, %arg12: memref<80x128xf32, #tpu.memory_space<vmem>>, %arg13: memref<80x128xf32, #tpu.memory_space<vmem>>, %arg14: memref<40x64xf32, #tpu.memory_space<vmem>>, %arg15: memref<320x128xf32, #tpu.memory_space<vmem_shared>>, %arg16: memref<!tpu.dma_semaphore, #tpu.memory_space<semaphore_mem>>) attributes {dimension_semantics = [#tpu.dimension_semantics<core_parallel>, #tpu.dimension_semantics<subcore_parallel>], iteration_bounds = array<i64: 2, 16>, scalar_prefetch = 0 : i64, scratch_operands = 9 : i64, tpu.core_type = #tpu.core_type<sc_vector_subcore>, window_params = [{transform_indices = #map}, {transform_indices = #map}, {transform_indices = #map1}, {transform_indices = #map1}, {transform_indices = #map2}, {transform_indices = #map2}]} {
    %mul3A = arith.constant 2 : i32
    %mul3A_0 = arith.muli %arg1, %mul3A : i32
    %add3A = arith.addi %mul3A_0, %arg0 : i32
    %iota3A = tpu.iota {dimensions = array<i32: 0>} : vector<16xi32>
    %broadcast_in_dim3A = arith.constant 0.000000e+00 : f32
    %broadcast_in_dim3A_1 = vector.broadcast %broadcast_in_dim3A : f32 to vector<16xf32>
    %scan3A = arith.constant 0 : i32
    %scan3A_2 = arith.constant 80 : i32
    %scan3A_3 = arith.addi %scan3A, %scan3A_2 : i32
    %scan3A_4 = arith.constant 1 : i32
    scf.for %scan3A_19 = %scan3A to %scan3A_3 step %scan3A_4  : i32 {
      %mul3A_20 = arith.constant 1 : i32
      %mul3A_21 = arith.muli %scan3A_19, %mul3A_20 : i32
      %add3A_22 = arith.constant 0 : i32
      %add3A_23 = arith.addi %add3A_22, %mul3A_21 : i32
      %swap3A = arith.index_cast %add3A_23 : i32 to index
      %swap3A_24 = arith.constant 0 : index
      %swap3A_25 = tpu.vector_load %arg13[%swap3A, %swap3A_24] {strides = array<i32>} : memref<80x128xf32, #tpu.memory_space<vmem>>, vector<16xf32>,
      tpu.vector_store %arg13[%swap3A, %swap3A_24], %broadcast_in_dim3A_1 {strides = array<i32>} : memref<80x128xf32, #tpu.memory_space<vmem>>, vector<16xf32>,
      %swap3A_26 = arith.index_cast %add3A_23 : i32 to index
      %swap3A_27 = arith.constant 16 : index
      %swap3A_28 = tpu.vector_load %arg13[%swap3A_26, %swap3A_27] {strides = array<i32>} : memref<80x128xf32, #tpu.memory_space<vmem>>, vector<16xf32>,
      tpu.vector_store %arg13[%swap3A_26, %swap3A_27], %broadcast_in_dim3A_1 {strides = array<i32>} : memref<80x128xf32, #tpu.memory_space<vmem>>, vector<16xf32>,
      %swap3A_29 = arith.index_cast %add3A_23 : i32 to index
      %swap3A_30 = arith.constant 32 : index
      %swap3A_31 = tpu.vector_load %arg13[%swap3A_29, %swap3A_30] {strides = array<i32>} : memref<80x128xf32, #tpu.memory_space<vmem>>, vector<16xf32>,
      tpu.vector_store %arg13[%swap3A_29, %swap3A_30], %broadcast_in_dim3A_1 {strides = array<i32>} : memref<80x128xf32, #tpu.memory_space<vmem>>, vector<16xf32>,
      %swap3A_32 = arith.index_cast %add3A_23 : i32 to index
      %swap3A_33 = arith.constant 48 : index
      %swap3A_34 = tpu.vector_load %arg13[%swap3A_32, %swap3A_33] {strides = array<i32>} : memref<80x128xf32, #tpu.memory_space<vmem>>, vector<16xf32>,
      tpu.vector_store %arg13[%swap3A_32, %swap3A_33], %broadcast_in_dim3A_1 {strides = array<i32>} : memref<80x128xf32, #tpu.memory_space<vmem>>, vector<16xf32>,
      %swap3A_35 = arith.index_cast %add3A_23 : i32 to index
      %swap3A_36 = arith.constant 64 : index
      %swap3A_37 = tpu.vector_load %arg13[%swap3A_35, %swap3A_36] {strides = array<i32>} : memref<80x128xf32, #tpu.memory_space<vmem>>, vector<16xf32>,
      tpu.vector_store %arg13[%swap3A_35, %swap3A_36], %broadcast_in_dim3A_1 {strides = array<i32>} : memref<80x128xf32, #tpu.memory_space<vmem>>, vector<16xf32>,
      %swap3A_38 = arith.index_cast %add3A_23 : i32 to index
      %swap3A_39 = arith.constant 80 : index
      %swap3A_40 = tpu.vector_load %arg13[%swap3A_38, %swap3A_39] {strides = array<i32>} : memref<80x128xf32, #tpu.memory_space<vmem>>, vector<16xf32>,
      tpu.vector_store %arg13[%swap3A_38, %swap3A_39], %broadcast_in_dim3A_1 {strides = array<i32>} : memref<80x128xf32, #tpu.memory_space<vmem>>, vector<16xf32>,
      %swap3A_41 = arith.index_cast %add3A_23 : i32 to index
      %swap3A_42 = arith.constant 96 : index
      %swap3A_43 = tpu.vector_load %arg13[%swap3A_41, %swap3A_42] {strides = array<i32>} : memref<80x128xf32, #tpu.memory_space<vmem>>, vector<16xf32>,
      tpu.vector_store %arg13[%swap3A_41, %swap3A_42], %broadcast_in_dim3A_1 {strides = array<i32>} : memref<80x128xf32, #tpu.memory_space<vmem>>, vector<16xf32>,
      %swap3A_44 = arith.index_cast %add3A_23 : i32 to index
      %swap3A_45 = arith.constant 112 : index
      %swap3A_46 = tpu.vector_load %arg13[%swap3A_44, %swap3A_45] {strides = array<i32>} : memref<80x128xf32, #tpu.memory_space<vmem>>, vector<16xf32>,
      tpu.vector_store %arg13[%swap3A_44, %swap3A_45], %broadcast_in_dim3A_1 {strides = array<i32>} : memref<80x128xf32, #tpu.memory_space<vmem>>, vector<16xf32>,
    }
    %scan3A_5 = arith.constant 80 : i32
    %lt3A = arith.constant 4 : i32
    %lt3A_6 = arith.cmpi slt, %arg1, %lt3A : i32
    %convert_element_type3A = arith.extui %lt3A_6 : i1 to i32
    %cond3A = arith.constant 0 : i32
    %cond3A_7 = arith.cmpi ne, %convert_element_type3A, %cond3A : i32
    scf.if %cond3A_7 {
      %mul3A_19 = arith.constant 80 : i32
      %mul3A_20 = arith.muli %arg1, %mul3A_19 : i32
      "tpu.region"() ({
        %run_scoped3A = tpu.sem_alloc : memref<!tpu.dma_semaphore, #tpu.memory_space<semaphore_mem>>
        %dma_start3A = arith.constant 0 : i32
        %dma_start3A_21 = tpu.memref_slice %arg15[%mul3A_20, %dma_start3A] : memref<320x128xf32, #tpu.memory_space<vmem_shared>> -> memref<80x128xf32, #tpu.memory_space<vmem_shared>>
        %dma_start3A_22 = arith.constant 0 : i32
        %dma_start3A_23 = tpu.memref_slice %arg15[%mul3A_20, %dma_start3A_22] : memref<320x128xf32, #tpu.memory_space<vmem_shared>> -> memref<80x128xf32, #tpu.memory_space<vmem_shared>>
        tpu.enqueue_dma source(%arg13 : memref<80x128xf32, #tpu.memory_space<vmem>>) target(%dma_start3A_23 : memref<80x128xf32, #tpu.memory_space<vmem_shared>>) target_semaphore(%run_scoped3A : memref<!tpu.dma_semaphore, #tpu.memory_space<semaphore_mem>>)
        %dma_wait3A = arith.constant 0 : i32
        %dma_wait3A_24 = tpu.memref_slice %arg15[%mul3A_20, %dma_wait3A] : memref<320x128xf32, #tpu.memory_space<vmem_shared>> -> memref<80x128xf32, #tpu.memory_space<vmem_shared>>
        %dma_wait3A_25 = arith.constant 0 : i32
        %dma_wait3A_26 = tpu.memref_slice %arg15[%mul3A_20, %dma_wait3A_25] : memref<320x128xf32, #tpu.memory_space<vmem_shared>> -> memref<80x128xf32, #tpu.memory_space<vmem_shared>>
        tpu.wait_dma2 semaphore(%run_scoped3A : memref<!tpu.dma_semaphore, #tpu.memory_space<semaphore_mem>>) src(%arg13 : memref<80x128xf32, #tpu.memory_space<vmem>>) dst(%dma_wait3A_26 : memref<80x128xf32, #tpu.memory_space<vmem_shared>>)
        tpu.yield
      }) : () -> ()
    } else {
    }
    %barrier3A = arith.constant 0 : index
    tpu.barrier barrier_id(%barrier3A)
    %scan3A_8 = arith.constant 0 : i32
    %scan3A_9 = arith.constant 125 : i32
    %scan3A_10 = arith.addi %scan3A_8, %scan3A_9 : i32
    %scan3A_11 = arith.constant 1 : i32
    scf.for %scan3A_19 = %scan3A_8 to %scan3A_10 step %scan3A_11  : i32 {
      %mul3A_20 = arith.constant 1 : i32
      %mul3A_21 = arith.muli %scan3A_19, %mul3A_20 : i32
      %add3A_22 = arith.constant 0 : i32
      %add3A_23 = arith.addi %add3A_22, %mul3A_21 : i32
      %mul3A_24 = arith.constant 10000 : i32
      %mul3A_25 = arith.muli %add3A, %mul3A_24 : i32
      %mul3A_26 = arith.constant 80 : i32
      %mul3A_27 = arith.muli %add3A_23, %mul3A_26 : i32
      %add3A_28 = arith.addi %mul3A_25, %mul3A_27 : i32
      "tpu.region"() ({
        %run_scoped3A_265 = tpu.sem_alloc : memref<!tpu.dma_semaphore, #tpu.memory_space<semaphore_mem>>
        %dma_start3A_266 = tpu.memref_slice %arg4[%add3A_28] : memref<320000xi32, #tpu.memory_space<hbm>> -> memref<80xi32, #tpu.memory_space<hbm>>
        %dma_start3A_267 = tpu.memref_slice %arg4[%add3A_28] : memref<320000xi32, #tpu.memory_space<hbm>> -> memref<80xi32, #tpu.memory_space<hbm>>
        tpu.enqueue_dma source(%dma_start3A_267 : memref<80xi32, #tpu.memory_space<hbm>>) target(%arg8 : memref<80xi32, #tpu.memory_space<vmem>>) target_semaphore(%run_scoped3A_265 : memref<!tpu.dma_semaphore, #tpu.memory_space<semaphore_mem>>)
        %dma_wait3A_268 = tpu.memref_slice %arg4[%add3A_28] : memref<320000xi32, #tpu.memory_space<hbm>> -> memref<80xi32, #tpu.memory_space<hbm>>
        %dma_wait3A_269 = tpu.memref_slice %arg4[%add3A_28] : memref<320000xi32, #tpu.memory_space<hbm>> -> memref<80xi32, #tpu.memory_space<hbm>>
        tpu.wait_dma2 semaphore(%run_scoped3A_265 : memref<!tpu.dma_semaphore, #tpu.memory_space<semaphore_mem>>) src(%dma_wait3A_269 : memref<80xi32, #tpu.memory_space<hbm>>) dst(%arg8 : memref<80xi32, #tpu.memory_space<vmem>>)
        tpu.yield
      }) : () -> ()
      %run_scoped3A = arith.constant 0 : i32
      "tpu.region"() ({
        %run_scoped3A_265 = tpu.sem_alloc : memref<!tpu.dma_semaphore, #tpu.memory_space<semaphore_mem>>
        %dma_start3A_266 = arith.constant 0 : i32
        %dma_start3A_267 = tpu.memref_slice %arg9[%run_scoped3A, %dma_start3A_266] : memref<1x80xi32, #tpu.memory_space<vmem>> -> memref<1x80xi32, #tpu.memory_space<vmem>>
        %dma_start3A_268 = tpu.memref_squeeze %dma_start3A_267 : memref<1x80xi32, #tpu.memory_space<vmem>> -> memref<80xi32, #tpu.memory_space<vmem>>
        %dma_start3A_269 = tpu.memref_slice %arg5[%add3A_28] : memref<320000xi32, #tpu.memory_space<hbm>> -> memref<80xi32, #tpu.memory_space<hbm>>
        %dma_start3A_270 = arith.constant 0 : i32
        %dma_start3A_271 = tpu.memref_slice %arg9[%run_scoped3A, %dma_start3A_270] : memref<1x80xi32, #tpu.memory_space<vmem>> -> memref<1x80xi32, #tpu.memory_space<vmem>>
        %dma_start3A_272 = tpu.memref_squeeze %dma_start3A_271 : memref<1x80xi32, #tpu.memory_space<vmem>> -> memref<80xi32, #tpu.memory_space<vmem>>
        %dma_start3A_273 = tpu.memref_slice %arg5[%add3A_28] : memref<320000xi32, #tpu.memory_space<hbm>> -> memref<80xi32, #tpu.memory_space<hbm>>
        tpu.enqueue_dma source(%dma_start3A_273 : memref<80xi32, #tpu.memory_space<hbm>>) target(%dma_start3A_272 : memref<80xi32, #tpu.memory_space<vmem>>) target_semaphore(%run_scoped3A_265 : memref<!tpu.dma_semaphore, #tpu.memory_space<semaphore_mem>>)
        %dma_wait3A_274 = arith.constant 0 : i32
        %dma_wait3A_275 = tpu.memref_slice %arg9[%run_scoped3A, %dma_wait3A_274] : memref<1x80xi32, #tpu.memory_space<vmem>> -> memref<1x80xi32, #tpu.memory_space<vmem>>
        %dma_wait3A_276 = tpu.memref_squeeze %dma_wait3A_275 : memref<1x80xi32, #tpu.memory_space<vmem>> -> memref<80xi32, #tpu.memory_space<vmem>>
        %dma_wait3A_277 = tpu.memref_slice %arg5[%add3A_28] : memref<320000xi32, #tpu.memory_space<hbm>> -> memref<80xi32, #tpu.memory_space<hbm>>
        %dma_wait3A_278 = arith.constant 0 : i32
        %dma_wait3A_279 = tpu.memref_slice %arg9[%run_scoped3A, %dma_wait3A_278] : memref<1x80xi32, #tpu.memory_space<vmem>> -> memref<1x80xi32, #tpu.memory_space<vmem>>
        %dma_wait3A_280 = tpu.memref_squeeze %dma_wait3A_279 : memref<1x80xi32, #tpu.memory_space<vmem>> -> memref<80xi32, #tpu.memory_space<vmem>>
        %dma_wait3A_281 = tpu.memref_slice %arg5[%add3A_28] : memref<320000xi32, #tpu.memory_space<hbm>> -> memref<80xi32, #tpu.memory_space<hbm>>
        tpu.wait_dma2 semaphore(%run_scoped3A_265 : memref<!tpu.dma_semaphore, #tpu.memory_space<semaphore_mem>>) src(%dma_wait3A_281 : memref<80xi32, #tpu.memory_space<hbm>>) dst(%dma_wait3A_280 : memref<80xi32, #tpu.memory_space<vmem>>)
        tpu.yield
      }) : () -> ()
      %dma_start3A = arith.constant 0 : i32
      %dma_start3A_29 = arith.constant 0 : i32
      %dma_start3A_30 = tpu.memref_slice %arg9[%dma_start3A, %dma_start3A_29] : memref<1x80xi32, #tpu.memory_space<vmem>> -> memref<1x80xi32, #tpu.memory_space<vmem>>
      %dma_start3A_31 = tpu.memref_squeeze %dma_start3A_30 : memref<1x80xi32, #tpu.memory_space<vmem>> -> memref<80xi32, #tpu.memory_space<vmem>>
      %dma_start3A_32 = arith.constant 0 : i32
      %dma_start3A_33 = arith.constant 0 : i32
      %dma_start3A_34 = tpu.memref_slice %arg2[%dma_start3A_32, %dma_start3A_33] : memref<10000x128xf32, #tpu.memory_space<hbm>> -> memref<10000x128xf32, #tpu.memory_space<hbm>>
      tpu.enqueue_indirect_dma source(%dma_start3A_34 : memref<10000x128xf32, #tpu.memory_space<hbm>>) target(%arg11 : memref<80x128xf32, #tpu.memory_space<vmem>>) offsets(%dma_start3A_31 : memref<80xi32, #tpu.memory_space<vmem>>) semaphore(%arg16 : memref<!tpu.dma_semaphore, #tpu.memory_space<semaphore_mem>>)
      %dma_start3A_35 = arith.constant 0 : i32
      %dma_start3A_36 = arith.constant 0 : i32
      %dma_start3A_37 = tpu.memref_slice %arg3[%dma_start3A_35, %dma_start3A_36] : memref<10000x128xf32, #tpu.memory_space<hbm>> -> memref<10000x128xf32, #tpu.memory_space<hbm>>
      tpu.enqueue_indirect_dma source(%dma_start3A_37 : memref<10000x128xf32, #tpu.memory_space<hbm>>) target(%arg12 : memref<80x128xf32, #tpu.memory_space<vmem>>) offsets(%arg8 : memref<80xi32, #tpu.memory_space<vmem>>) semaphore(%arg16 : memref<!tpu.dma_semaphore, #tpu.memory_space<semaphore_mem>>)
      %dma_wait3A = arith.constant 0 : i32
      %dma_wait3A_38 = arith.constant 0 : i32
      %dma_wait3A_39 = tpu.memref_slice %arg9[%dma_wait3A, %dma_wait3A_38] : memref<1x80xi32, #tpu.memory_space<vmem>> -> memref<1x80xi32, #tpu.memory_space<vmem>>
      %dma_wait3A_40 = tpu.memref_squeeze %dma_wait3A_39 : memref<1x80xi32, #tpu.memory_space<vmem>> -> memref<80xi32, #tpu.memory_space<vmem>>
      %dma_wait3A_41 = arith.constant 0 : i32
      %dma_wait3A_42 = arith.constant 0 : i32
      %dma_wait3A_43 = tpu.memref_slice %arg2[%dma_wait3A_41, %dma_wait3A_42] : memref<10000x128xf32, #tpu.memory_space<hbm>> -> memref<10000x128xf32, #tpu.memory_space<hbm>>
      tpu.wait_indirect_dma semaphore(%arg16 : memref<!tpu.dma_semaphore, #tpu.memory_space<semaphore_mem>>) src(%dma_wait3A_43 : memref<10000x128xf32, #tpu.memory_space<hbm>>) dst(%arg11 : memref<80x128xf32, #tpu.memory_space<vmem>>)
      %dma_wait3A_44 = arith.constant 0 : i32
      %dma_wait3A_45 = arith.constant 0 : i32
      %dma_wait3A_46 = tpu.memref_slice %arg3[%dma_wait3A_44, %dma_wait3A_45] : memref<10000x128xf32, #tpu.memory_space<hbm>> -> memref<10000x128xf32, #tpu.memory_space<hbm>>
      tpu.wait_indirect_dma semaphore(%arg16 : memref<!tpu.dma_semaphore, #tpu.memory_space<semaphore_mem>>) src(%dma_wait3A_46 : memref<10000x128xf32, #tpu.memory_space<hbm>>) dst(%arg12 : memref<80x128xf32, #tpu.memory_space<vmem>>)
      %get3A = arith.constant 0 : i32
      %get3A_47 = arith.index_cast %get3A : i32 to index
      %get3A_48 = arith.constant 0 : index
      %get3A_49 = tpu.vector_load %arg9[%get3A_47, %get3A_48] {strides = array<i32>} : memref<1x80xi32, #tpu.memory_space<vmem>>, vector<16xi32>,
      %jit3A = arith.constant 32 : i32
      %div3A = vector.broadcast %jit3A : i32 to vector<16xi32>
      %div3A_50 = arith.divsi %get3A_49, %div3A : vector<16xi32>
      %sign3A = arith.constant 0 : i32
      %sign3A_51 = vector.broadcast %sign3A : i32 to vector<16xi32>
      %sign3A_52 = arith.cmpi sgt, %get3A_49, %sign3A_51 : vector<16xi32>
      %sign3A_53 = arith.extui %sign3A_52 : vector<16xi1> to vector<16xi32>
      %sign3A_54 = arith.constant 0 : i32
      %sign3A_55 = vector.broadcast %sign3A_54 : i32 to vector<16xi32>
      %sign3A_56 = arith.cmpi slt, %get3A_49, %sign3A_55 : vector<16xi32>
      %sign3A_57 = arith.extui %sign3A_56 : vector<16xi1> to vector<16xi32>
      %sign3A_58 = arith.subi %sign3A_53, %sign3A_57 : vector<16xi32>
      %sign3A_59 = arith.constant 0 : i32
      %sign3A_60 = arith.cmpi sgt, %jit3A, %sign3A_59 : i32
      %sign3A_61 = arith.extui %sign3A_60 : i1 to i32
      %sign3A_62 = arith.constant 0 : i32
      %sign3A_63 = arith.cmpi slt, %jit3A, %sign3A_62 : i32
      %sign3A_64 = arith.extui %sign3A_63 : i1 to i32
      %sign3A_65 = arith.subi %sign3A_61, %sign3A_64 : i32
      %ne3A = vector.broadcast %sign3A_65 : i32 to vector<16xi32>
      %ne3A_66 = arith.cmpi ne, %sign3A_58, %ne3A : vector<16xi32>
      %rem3A = vector.broadcast %jit3A : i32 to vector<16xi32>
      %rem3A_67 = arith.remsi %get3A_49, %rem3A : vector<16xi32>
      %ne3A_68 = arith.constant 0 : i32
      %ne3A_69 = vector.broadcast %ne3A_68 : i32 to vector<16xi32>
      %ne3A_70 = arith.cmpi ne, %rem3A_67, %ne3A_69 : vector<16xi32>
      %and3A = arith.andi %ne3A_66, %ne3A_70 : vector<16xi1>
      %sub3A = arith.constant 1 : i32
      %sub3A_71 = vector.broadcast %sub3A : i32 to vector<16xi32>
      %sub3A_72 = arith.subi %div3A_50, %sub3A_71 : vector<16xi32>
      %select_n3A = arith.select %and3A, %sub3A_72, %div3A_50 : vector<16xi1>, vector<16xi32>
      %swap3A = arith.constant 0 : i32
      %swap3A_73 = arith.index_cast %swap3A : i32 to index
      %swap3A_74 = arith.constant 0 : index
      %swap3A_75 = tpu.vector_load %arg10[%swap3A_73, %swap3A_74] {strides = array<i32>} : memref<1x80xi32, #tpu.memory_space<vmem>>, vector<16xi32>,
      tpu.vector_store %arg10[%swap3A_73, %swap3A_74], %select_n3A {strides = array<i32>} : memref<1x80xi32, #tpu.memory_space<vmem>>, vector<16xi32>,
      %get3A_76 = arith.constant 0 : i32
      %get3A_77 = arith.index_cast %get3A_76 : i32 to index
      %get3A_78 = arith.constant 16 : index
      %get3A_79 = tpu.vector_load %arg9[%get3A_77, %get3A_78] {strides = array<i32>} : memref<1x80xi32, #tpu.memory_space<vmem>>, vector<16xi32>,
      %jit3A_80 = arith.constant 32 : i32
      %div3A_81 = vector.broadcast %jit3A_80 : i32 to vector<16xi32>
      %div3A_82 = arith.divsi %get3A_79, %div3A_81 : vector<16xi32>
      %sign3A_83 = arith.constant 0 : i32
      %sign3A_84 = vector.broadcast %sign3A_83 : i32 to vector<16xi32>
      %sign3A_85 = arith.cmpi sgt, %get3A_79, %sign3A_84 : vector<16xi32>
      %sign3A_86 = arith.extui %sign3A_85 : vector<16xi1> to vector<16xi32>
      %sign3A_87 = arith.constant 0 : i32
      %sign3A_88 = vector.broadcast %sign3A_87 : i32 to vector<16xi32>
      %sign3A_89 = arith.cmpi slt, %get3A_79, %sign3A_88 : vector<16xi32>
      %sign3A_90 = arith.extui %sign3A_89 : vector<16xi1> to vector<16xi32>
      %sign3A_91 = arith.subi %sign3A_86, %sign3A_90 : vector<16xi32>
      %sign3A_92 = arith.constant 0 : i32
      %sign3A_93 = arith.cmpi sgt, %jit3A_80, %sign3A_92 : i32
      %sign3A_94 = arith.extui %sign3A_93 : i1 to i32
      %sign3A_95 = arith.constant 0 : i32
      %sign3A_96 = arith.cmpi slt, %jit3A_80, %sign3A_95 : i32
      %sign3A_97 = arith.extui %sign3A_96 : i1 to i32
      %sign3A_98 = arith.subi %sign3A_94, %sign3A_97 : i32
      %ne3A_99 = vector.broadcast %sign3A_98 : i32 to vector<16xi32>
      %ne3A_100 = arith.cmpi ne, %sign3A_91, %ne3A_99 : vector<16xi32>
      %rem3A_101 = vector.broadcast %jit3A_80 : i32 to vector<16xi32>
      %rem3A_102 = arith.remsi %get3A_79, %rem3A_101 : vector<16xi32>
      %ne3A_103 = arith.constant 0 : i32
      %ne3A_104 = vector.broadcast %ne3A_103 : i32 to vector<16xi32>
      %ne3A_105 = arith.cmpi ne, %rem3A_102, %ne3A_104 : vector<16xi32>
      %and3A_106 = arith.andi %ne3A_100, %ne3A_105 : vector<16xi1>
      %sub3A_107 = arith.constant 1 : i32
      %sub3A_108 = vector.broadcast %sub3A_107 : i32 to vector<16xi32>
      %sub3A_109 = arith.subi %div3A_82, %sub3A_108 : vector<16xi32>
      %select_n3A_110 = arith.select %and3A_106, %sub3A_109, %div3A_82 : vector<16xi1>, vector<16xi32>
      %swap3A_111 = arith.constant 0 : i32
      %swap3A_112 = arith.index_cast %swap3A_111 : i32 to index
      %swap3A_113 = arith.constant 16 : index
      %swap3A_114 = tpu.vector_load %arg10[%swap3A_112, %swap3A_113] {strides = array<i32>} : memref<1x80xi32, #tpu.memory_space<vmem>>, vector<16xi32>,
      tpu.vector_store %arg10[%swap3A_112, %swap3A_113], %select_n3A_110 {strides = array<i32>} : memref<1x80xi32, #tpu.memory_space<vmem>>, vector<16xi32>,
      %get3A_115 = arith.constant 0 : i32
      %get3A_116 = arith.index_cast %get3A_115 : i32 to index
      %get3A_117 = arith.constant 32 : index
      %get3A_118 = tpu.vector_load %arg9[%get3A_116, %get3A_117] {strides = array<i32>} : memref<1x80xi32, #tpu.memory_space<vmem>>, vector<16xi32>,
      %jit3A_119 = arith.constant 32 : i32
      %div3A_120 = vector.broadcast %jit3A_119 : i32 to vector<16xi32>
      %div3A_121 = arith.divsi %get3A_118, %div3A_120 : vector<16xi32>
      %sign3A_122 = arith.constant 0 : i32
      %sign3A_123 = vector.broadcast %sign3A_122 : i32 to vector<16xi32>
      %sign3A_124 = arith.cmpi sgt, %get3A_118, %sign3A_123 : vector<16xi32>
      %sign3A_125 = arith.extui %sign3A_124 : vector<16xi1> to vector<16xi32>
      %sign3A_126 = arith.constant 0 : i32
      %sign3A_127 = vector.broadcast %sign3A_126 : i32 to vector<16xi32>
      %sign3A_128 = arith.cmpi slt, %get3A_118, %sign3A_127 : vector<16xi32>
      %sign3A_129 = arith.extui %sign3A_128 : vector<16xi1> to vector<16xi32>
      %sign3A_130 = arith.subi %sign3A_125, %sign3A_129 : vector<16xi32>
      %sign3A_131 = arith.constant 0 : i32
      %sign3A_132 = arith.cmpi sgt, %jit3A_119, %sign3A_131 : i32
      %sign3A_133 = arith.extui %sign3A_132 : i1 to i32
      %sign3A_134 = arith.constant 0 : i32
      %sign3A_135 = arith.cmpi slt, %jit3A_119, %sign3A_134 : i32
      %sign3A_136 = arith.extui %sign3A_135 : i1 to i32
      %sign3A_137 = arith.subi %sign3A_133, %sign3A_136 : i32
      %ne3A_138 = vector.broadcast %sign3A_137 : i32 to vector<16xi32>
      %ne3A_139 = arith.cmpi ne, %sign3A_130, %ne3A_138 : vector<16xi32>
      %rem3A_140 = vector.broadcast %jit3A_119 : i32 to vector<16xi32>
      %rem3A_141 = arith.remsi %get3A_118, %rem3A_140 : vector<16xi32>
      %ne3A_142 = arith.constant 0 : i32
      %ne3A_143 = vector.broadcast %ne3A_142 : i32 to vector<16xi32>
      %ne3A_144 = arith.cmpi ne, %rem3A_141, %ne3A_143 : vector<16xi32>
      %and3A_145 = arith.andi %ne3A_139, %ne3A_144 : vector<16xi1>
      %sub3A_146 = arith.constant 1 : i32
      %sub3A_147 = vector.broadcast %sub3A_146 : i32 to vector<16xi32>
      %sub3A_148 = arith.subi %div3A_121, %sub3A_147 : vector<16xi32>
      %select_n3A_149 = arith.select %and3A_145, %sub3A_148, %div3A_121 : vector<16xi1>, vector<16xi32>
      %swap3A_150 = arith.constant 0 : i32
      %swap3A_151 = arith.index_cast %swap3A_150 : i32 to index
      %swap3A_152 = arith.constant 32 : index
      %swap3A_153 = tpu.vector_load %arg10[%swap3A_151, %swap3A_152] {strides = array<i32>} : memref<1x80xi32, #tpu.memory_space<vmem>>, vector<16xi32>,
      tpu.vector_store %arg10[%swap3A_151, %swap3A_152], %select_n3A_149 {strides = array<i32>} : memref<1x80xi32, #tpu.memory_space<vmem>>, vector<16xi32>,
      %get3A_154 = arith.constant 0 : i32
      %get3A_155 = arith.index_cast %get3A_154 : i32 to index
      %get3A_156 = arith.constant 48 : index
      %get3A_157 = tpu.vector_load %arg9[%get3A_155, %get3A_156] {strides = array<i32>} : memref<1x80xi32, #tpu.memory_space<vmem>>, vector<16xi32>,
      %jit3A_158 = arith.constant 32 : i32
      %div3A_159 = vector.broadcast %jit3A_158 : i32 to vector<16xi32>
      %div3A_160 = arith.divsi %get3A_157, %div3A_159 : vector<16xi32>
      %sign3A_161 = arith.constant 0 : i32
      %sign3A_162 = vector.broadcast %sign3A_161 : i32 to vector<16xi32>
      %sign3A_163 = arith.cmpi sgt, %get3A_157, %sign3A_162 : vector<16xi32>
      %sign3A_164 = arith.extui %sign3A_163 : vector<16xi1> to vector<16xi32>
      %sign3A_165 = arith.constant 0 : i32
      %sign3A_166 = vector.broadcast %sign3A_165 : i32 to vector<16xi32>
      %sign3A_167 = arith.cmpi slt, %get3A_157, %sign3A_166 : vector<16xi32>
      %sign3A_168 = arith.extui %sign3A_167 : vector<16xi1> to vector<16xi32>
      %sign3A_169 = arith.subi %sign3A_164, %sign3A_168 : vector<16xi32>
      %sign3A_170 = arith.constant 0 : i32
      %sign3A_171 = arith.cmpi sgt, %jit3A_158, %sign3A_170 : i32
      %sign3A_172 = arith.extui %sign3A_171 : i1 to i32
      %sign3A_173 = arith.constant 0 : i32
      %sign3A_174 = arith.cmpi slt, %jit3A_158, %sign3A_173 : i32
      %sign3A_175 = arith.extui %sign3A_174 : i1 to i32
      %sign3A_176 = arith.subi %sign3A_172, %sign3A_175 : i32
      %ne3A_177 = vector.broadcast %sign3A_176 : i32 to vector<16xi32>
      %ne3A_178 = arith.cmpi ne, %sign3A_169, %ne3A_177 : vector<16xi32>
      %rem3A_179 = vector.broadcast %jit3A_158 : i32 to vector<16xi32>
      %rem3A_180 = arith.remsi %get3A_157, %rem3A_179 : vector<16xi32>
      %ne3A_181 = arith.constant 0 : i32
      %ne3A_182 = vector.broadcast %ne3A_181 : i32 to vector<16xi32>
      %ne3A_183 = arith.cmpi ne, %rem3A_180, %ne3A_182 : vector<16xi32>
      %and3A_184 = arith.andi %ne3A_178, %ne3A_183 : vector<16xi1>
      %sub3A_185 = arith.constant 1 : i32
      %sub3A_186 = vector.broadcast %sub3A_185 : i32 to vector<16xi32>
      %sub3A_187 = arith.subi %div3A_160, %sub3A_186 : vector<16xi32>
      %select_n3A_188 = arith.select %and3A_184, %sub3A_187, %div3A_160 : vector<16xi1>, vector<16xi32>
      %swap3A_189 = arith.constant 0 : i32
      %swap3A_190 = arith.index_cast %swap3A_189 : i32 to index
      %swap3A_191 = arith.constant 48 : index
      %swap3A_192 = tpu.vector_load %arg10[%swap3A_190, %swap3A_191] {strides = array<i32>} : memref<1x80xi32, #tpu.memory_space<vmem>>, vector<16xi32>,
      tpu.vector_store %arg10[%swap3A_190, %swap3A_191], %select_n3A_188 {strides = array<i32>} : memref<1x80xi32, #tpu.memory_space<vmem>>, vector<16xi32>,
      %get3A_193 = arith.constant 0 : i32
      %get3A_194 = arith.index_cast %get3A_193 : i32 to index
      %get3A_195 = arith.constant 64 : index
      %get3A_196 = tpu.vector_load %arg9[%get3A_194, %get3A_195] {strides = array<i32>} : memref<1x80xi32, #tpu.memory_space<vmem>>, vector<16xi32>,
      %jit3A_197 = arith.constant 32 : i32
      %div3A_198 = vector.broadcast %jit3A_197 : i32 to vector<16xi32>
      %div3A_199 = arith.divsi %get3A_196, %div3A_198 : vector<16xi32>
      %sign3A_200 = arith.constant 0 : i32
      %sign3A_201 = vector.broadcast %sign3A_200 : i32 to vector<16xi32>
      %sign3A_202 = arith.cmpi sgt, %get3A_196, %sign3A_201 : vector<16xi32>
      %sign3A_203 = arith.extui %sign3A_202 : vector<16xi1> to vector<16xi32>
      %sign3A_204 = arith.constant 0 : i32
      %sign3A_205 = vector.broadcast %sign3A_204 : i32 to vector<16xi32>
      %sign3A_206 = arith.cmpi slt, %get3A_196, %sign3A_205 : vector<16xi32>
      %sign3A_207 = arith.extui %sign3A_206 : vector<16xi1> to vector<16xi32>
      %sign3A_208 = arith.subi %sign3A_203, %sign3A_207 : vector<16xi32>
      %sign3A_209 = arith.constant 0 : i32
      %sign3A_210 = arith.cmpi sgt, %jit3A_197, %sign3A_209 : i32
      %sign3A_211 = arith.extui %sign3A_210 : i1 to i32
      %sign3A_212 = arith.constant 0 : i32
      %sign3A_213 = arith.cmpi slt, %jit3A_197, %sign3A_212 : i32
      %sign3A_214 = arith.extui %sign3A_213 : i1 to i32
      %sign3A_215 = arith.subi %sign3A_211, %sign3A_214 : i32
      %ne3A_216 = vector.broadcast %sign3A_215 : i32 to vector<16xi32>
      %ne3A_217 = arith.cmpi ne, %sign3A_208, %ne3A_216 : vector<16xi32>
      %rem3A_218 = vector.broadcast %jit3A_197 : i32 to vector<16xi32>
      %rem3A_219 = arith.remsi %get3A_196, %rem3A_218 : vector<16xi32>
      %ne3A_220 = arith.constant 0 : i32
      %ne3A_221 = vector.broadcast %ne3A_220 : i32 to vector<16xi32>
      %ne3A_222 = arith.cmpi ne, %rem3A_219, %ne3A_221 : vector<16xi32>
      %and3A_223 = arith.andi %ne3A_217, %ne3A_222 : vector<16xi1>
      %sub3A_224 = arith.constant 1 : i32
      %sub3A_225 = vector.broadcast %sub3A_224 : i32 to vector<16xi32>
      %sub3A_226 = arith.subi %div3A_199, %sub3A_225 : vector<16xi32>
      %select_n3A_227 = arith.select %and3A_223, %sub3A_226, %div3A_199 : vector<16xi1>, vector<16xi32>
      %swap3A_228 = arith.constant 0 : i32
      %swap3A_229 = arith.index_cast %swap3A_228 : i32 to index
      %swap3A_230 = arith.constant 64 : index
      %swap3A_231 = tpu.vector_load %arg10[%swap3A_229, %swap3A_230] {strides = array<i32>} : memref<1x80xi32, #tpu.memory_space<vmem>>, vector<16xi32>,
      tpu.vector_store %arg10[%swap3A_229, %swap3A_230], %select_n3A_227 {strides = array<i32>} : memref<1x80xi32, #tpu.memory_space<vmem>>, vector<16xi32>,
      %scan3A_232 = arith.constant 0 : i32
      %scan3A_233 = arith.constant 80 : i32
      %scan3A_234 = arith.addi %scan3A_232, %scan3A_233 : i32
      %scan3A_235 = arith.constant 1 : i32
      scf.for %scan3A_265 = %scan3A_232 to %scan3A_234 step %scan3A_235  : i32 {
        %mul3A_266 = arith.constant 1 : i32
        %mul3A_267 = arith.muli %scan3A_265, %mul3A_266 : i32
        %add3A_268 = arith.constant 0 : i32
        %add3A_269 = arith.addi %add3A_268, %mul3A_267 : i32
        %get3A_270 = arith.index_cast %add3A_269 : i32 to index
        %get3A_271 = arith.constant 0 : index
        %get3A_272 = tpu.vector_load %arg11[%get3A_270, %get3A_271] {strides = array<i32>} : memref<80x128xf32, #tpu.memory_space<vmem>>, vector<16xf32>,
        %get3A_273 = arith.index_cast %add3A_269 : i32 to index
        %get3A_274 = arith.constant 0 : index
        %get3A_275 = tpu.vector_load %arg12[%get3A_273, %get3A_274] {strides = array<i32>} : memref<80x128xf32, #tpu.memory_space<vmem>>, vector<16xf32>,
        %mul3A_276 = arith.mulf %get3A_272, %get3A_275 : vector<16xf32>
        %get3A_277 = arith.index_cast %add3A_269 : i32 to index
        %get3A_278 = arith.constant 16 : index
        %get3A_279 = tpu.vector_load %arg11[%get3A_277, %get3A_278] {strides = array<i32>} : memref<80x128xf32, #tpu.memory_space<vmem>>, vector<16xf32>,
        %get3A_280 = arith.index_cast %add3A_269 : i32 to index
        %get3A_281 = arith.constant 16 : index
        %get3A_282 = tpu.vector_load %arg12[%get3A_280, %get3A_281] {strides = array<i32>} : memref<80x128xf32, #tpu.memory_space<vmem>>, vector<16xf32>,
        %mul3A_283 = arith.mulf %get3A_279, %get3A_282 : vector<16xf32>
        %add3A_284 = arith.addf %mul3A_276, %mul3A_283 : vector<16xf32>
        %reduce_sum3A = arith.constant true
        %reduce_sum3A_285 = vector.broadcast %reduce_sum3A : i1 to vector<16xi1>
        %reduce_sum3A_286 = tpu.scan <sum>, %add3A_284 masked %reduce_sum3A_285 : vector<16xf32>, vector<16xi1> -> vector<16xf32>
        %reduce_sum3A_287 = vector.extract %reduce_sum3A_286[15] : f32 from vector<16xf32>
        %broadcast_in_dim3A_288 = vector.broadcast %reduce_sum3A_287 : f32 to vector<16xf32>
        %exp3A = math.exp %broadcast_in_dim3A_288 : vector<16xf32>
        %get3A_289 = arith.index_cast %add3A_269 : i32 to index
        %get3A_290 = arith.constant 32 : index
        %get3A_291 = tpu.vector_load %arg11[%get3A_289, %get3A_290] {strides = array<i32>} : memref<80x128xf32, #tpu.memory_space<vmem>>, vector<16xf32>,
        %get3A_292 = arith.index_cast %add3A_269 : i32 to index
        %get3A_293 = arith.constant 32 : index
        %get3A_294 = tpu.vector_load %arg12[%get3A_292, %get3A_293] {strides = array<i32>} : memref<80x128xf32, #tpu.memory_space<vmem>>, vector<16xf32>,
        %mul3A_295 = arith.mulf %get3A_291, %get3A_294 : vector<16xf32>
        %get3A_296 = arith.index_cast %add3A_269 : i32 to index
        %get3A_297 = arith.constant 48 : index
        %get3A_298 = tpu.vector_load %arg11[%get3A_296, %get3A_297] {strides = array<i32>} : memref<80x128xf32, #tpu.memory_space<vmem>>, vector<16xf32>,
        %get3A_299 = arith.index_cast %add3A_269 : i32 to index
        %get3A_300 = arith.constant 48 : index
        %get3A_301 = tpu.vector_load %arg12[%get3A_299, %get3A_300] {strides = array<i32>} : memref<80x128xf32, #tpu.memory_space<vmem>>, vector<16xf32>,
        %mul3A_302 = arith.mulf %get3A_298, %get3A_301 : vector<16xf32>
        %add3A_303 = arith.addf %mul3A_295, %mul3A_302 : vector<16xf32>
        %reduce_sum3A_304 = arith.constant true
        %reduce_sum3A_305 = vector.broadcast %reduce_sum3A_304 : i1 to vector<16xi1>
        %reduce_sum3A_306 = tpu.scan <sum>, %add3A_303 masked %reduce_sum3A_305 : vector<16xf32>, vector<16xi1> -> vector<16xf32>
        %reduce_sum3A_307 = vector.extract %reduce_sum3A_306[15] : f32 from vector<16xf32>
        %broadcast_in_dim3A_308 = vector.broadcast %reduce_sum3A_307 : f32 to vector<16xf32>
        %exp3A_309 = math.exp %broadcast_in_dim3A_308 : vector<16xf32>
        %get3A_310 = arith.index_cast %add3A_269 : i32 to index
        %get3A_311 = arith.constant 64 : index
        %get3A_312 = tpu.vector_load %arg11[%get3A_310, %get3A_311] {strides = array<i32>} : memref<80x128xf32, #tpu.memory_space<vmem>>, vector<16xf32>,
        %get3A_313 = arith.index_cast %add3A_269 : i32 to index
        %get3A_314 = arith.constant 64 : index
        %get3A_315 = tpu.vector_load %arg12[%get3A_313, %get3A_314] {strides = array<i32>} : memref<80x128xf32, #tpu.memory_space<vmem>>, vector<16xf32>,
        %mul3A_316 = arith.mulf %get3A_312, %get3A_315 : vector<16xf32>
        %get3A_317 = arith.index_cast %add3A_269 : i32 to index
        %get3A_318 = arith.constant 80 : index
        %get3A_319 = tpu.vector_load %arg11[%get3A_317, %get3A_318] {strides = array<i32>} : memref<80x128xf32, #tpu.memory_space<vmem>>, vector<16xf32>,
        %get3A_320 = arith.index_cast %add3A_269 : i32 to index
        %get3A_321 = arith.constant 80 : index
        %get3A_322 = tpu.vector_load %arg12[%get3A_320, %get3A_321] {strides = array<i32>} : memref<80x128xf32, #tpu.memory_space<vmem>>, vector<16xf32>,
        %mul3A_323 = arith.mulf %get3A_319, %get3A_322 : vector<16xf32>
        %add3A_324 = arith.addf %mul3A_316, %mul3A_323 : vector<16xf32>
        %reduce_sum3A_325 = arith.constant true
        %reduce_sum3A_326 = vector.broadcast %reduce_sum3A_325 : i1 to vector<16xi1>
        %reduce_sum3A_327 = tpu.scan <sum>, %add3A_324 masked %reduce_sum3A_326 : vector<16xf32>, vector<16xi1> -> vector<16xf32>
        %reduce_sum3A_328 = vector.extract %reduce_sum3A_327[15] : f32 from vector<16xf32>
        %broadcast_in_dim3A_329 = vector.broadcast %reduce_sum3A_328 : f32 to vector<16xf32>
        %exp3A_330 = math.exp %broadcast_in_dim3A_329 : vector<16xf32>
        %get3A_331 = arith.index_cast %add3A_269 : i32 to index
        %get3A_332 = arith.constant 96 : index
        %get3A_333 = tpu.vector_load %arg11[%get3A_331, %get3A_332] {strides = array<i32>} : memref<80x128xf32, #tpu.memory_space<vmem>>, vector<16xf32>,
        %get3A_334 = arith.index_cast %add3A_269 : i32 to index
        %get3A_335 = arith.constant 96 : index
        %get3A_336 = tpu.vector_load %arg12[%get3A_334, %get3A_335] {strides = array<i32>} : memref<80x128xf32, #tpu.memory_space<vmem>>, vector<16xf32>,
        %mul3A_337 = arith.mulf %get3A_333, %get3A_336 : vector<16xf32>
        %get3A_338 = arith.index_cast %add3A_269 : i32 to index
        %get3A_339 = arith.constant 112 : index
        %get3A_340 = tpu.vector_load %arg11[%get3A_338, %get3A_339] {strides = array<i32>} : memref<80x128xf32, #tpu.memory_space<vmem>>, vector<16xf32>,
        %get3A_341 = arith.index_cast %add3A_269 : i32 to index
        %get3A_342 = arith.constant 112 : index
        %get3A_343 = tpu.vector_load %arg12[%get3A_341, %get3A_342] {strides = array<i32>} : memref<80x128xf32, #tpu.memory_space<vmem>>, vector<16xf32>,
        %mul3A_344 = arith.mulf %get3A_340, %get3A_343 : vector<16xf32>
        %add3A_345 = arith.addf %mul3A_337, %mul3A_344 : vector<16xf32>
        %reduce_sum3A_346 = arith.constant true
        %reduce_sum3A_347 = vector.broadcast %reduce_sum3A_346 : i1 to vector<16xi1>
        %reduce_sum3A_348 = tpu.scan <sum>, %add3A_345 masked %reduce_sum3A_347 : vector<16xf32>, vector<16xi1> -> vector<16xf32>
        %reduce_sum3A_349 = vector.extract %reduce_sum3A_348[15] : f32 from vector<16xf32>
        %broadcast_in_dim3A_350 = vector.broadcast %reduce_sum3A_349 : f32 to vector<16xf32>
        %exp3A_351 = math.exp %broadcast_in_dim3A_350 : vector<16xf32>
        %eq3A_352 = arith.constant 0 : i32
        %eq3A_353 = vector.broadcast %eq3A_352 : i32 to vector<16xi32>
        %eq3A_354 = arith.cmpi eq, %iota3A, %eq3A_353 : vector<16xi32>
        %eq3A_355 = arith.constant 1 : i32
        %eq3A_356 = vector.broadcast %eq3A_355 : i32 to vector<16xi32>
        %eq3A_357 = arith.cmpi eq, %iota3A, %eq3A_356 : vector<16xi32>
        %eq3A_358 = arith.constant 2 : i32
        %eq3A_359 = vector.broadcast %eq3A_358 : i32 to vector<16xi32>
        %eq3A_360 = arith.cmpi eq, %iota3A, %eq3A_359 : vector<16xi32>
        %select_n3A_361 = arith.select %eq3A_360, %exp3A_330, %exp3A_351 : vector<16xi1>, vector<16xf32>
        %select_n3A_362 = arith.select %eq3A_357, %exp3A_309, %select_n3A_361 : vector<16xi1>, vector<16xf32>
        %select_n3A_363 = arith.select %eq3A_354, %exp3A, %select_n3A_362 : vector<16xi1>, vector<16xf32>
        %jit3A_364 = arith.constant 16 : i32
        %div3A_365 = arith.divsi %add3A_269, %jit3A_364 : i32
        %sign3A_366 = arith.constant 0 : i32
        %sign3A_367 = arith.cmpi sgt, %add3A_269, %sign3A_366 : i32
        %sign3A_368 = arith.extui %sign3A_367 : i1 to i32
        %sign3A_369 = arith.constant 0 : i32
        %sign3A_370 = arith.cmpi slt, %add3A_269, %sign3A_369 : i32
        %sign3A_371 = arith.extui %sign3A_370 : i1 to i32
        %sign3A_372 = arith.subi %sign3A_368, %sign3A_371 : i32
        %sign3A_373 = arith.constant 0 : i32
        %sign3A_374 = arith.cmpi sgt, %jit3A_364, %sign3A_373 : i32
        %sign3A_375 = arith.extui %sign3A_374 : i1 to i32
        %sign3A_376 = arith.constant 0 : i32
        %sign3A_377 = arith.cmpi slt, %jit3A_364, %sign3A_376 : i32
        %sign3A_378 = arith.extui %sign3A_377 : i1 to i32
        %sign3A_379 = arith.subi %sign3A_375, %sign3A_378 : i32
        %ne3A_380 = arith.cmpi ne, %sign3A_372, %sign3A_379 : i32
        %rem3A_381 = arith.remsi %add3A_269, %jit3A_364 : i32
        %ne3A_382 = arith.constant 0 : i32
        %ne3A_383 = arith.cmpi ne, %rem3A_381, %ne3A_382 : i32
        %and3A_384 = arith.andi %ne3A_380, %ne3A_383 : i1
        %sub3A_385 = arith.constant 1 : i32
        %sub3A_386 = arith.subi %div3A_365, %sub3A_385 : i32
        %select_n3A_387 = arith.select %and3A_384, %sub3A_386, %div3A_365 : i32
        %mul3A_388 = arith.constant 16 : i32
        %mul3A_389 = arith.muli %select_n3A_387, %mul3A_388 : i32
        %jit3A_390 = arith.constant 8 : i32
        %eq3A_391 = arith.constant 0 : i32
        %eq3A_392 = arith.cmpi eq, %jit3A_390, %eq3A_391 : i32
        %jit3A_393 = arith.constant 1 : i32
        %select_n3A_394 = arith.select %eq3A_392, %jit3A_393, %jit3A_390 : i32
        %rem3A_395 = arith.remsi %add3A_23, %select_n3A_394 : i32
        %ne3A_396 = arith.constant 0 : i32
        %ne3A_397 = arith.cmpi ne, %rem3A_395, %ne3A_396 : i32
        %lt3A_398 = arith.constant 0 : i32
        %lt3A_399 = arith.cmpi slt, %rem3A_395, %lt3A_398 : i32
        %lt3A_400 = arith.constant 0 : i32
        %lt3A_401 = arith.cmpi slt, %select_n3A_394, %lt3A_400 : i32
        %ne3A_402 = arith.xori %lt3A_399, %lt3A_401 : i1
        %and3A_403 = arith.andi %ne3A_402, %ne3A_397 : i1
        %add3A_404 = arith.addi %rem3A_395, %select_n3A_394 : i32
        %select_n3A_405 = arith.select %and3A_403, %add3A_404, %rem3A_395 : i32
        %mul3A_406 = arith.constant 5 : i32
        %mul3A_407 = arith.muli %select_n3A_405, %mul3A_406 : i32
        %jit3A_408 = arith.constant 16 : i32
        %div3A_409 = arith.divsi %add3A_269, %jit3A_408 : i32
        %sign3A_410 = arith.constant 0 : i32
        %sign3A_411 = arith.cmpi sgt, %add3A_269, %sign3A_410 : i32
        %sign3A_412 = arith.extui %sign3A_411 : i1 to i32
        %sign3A_413 = arith.constant 0 : i32
        %sign3A_414 = arith.cmpi slt, %add3A_269, %sign3A_413 : i32
        %sign3A_415 = arith.extui %sign3A_414 : i1 to i32
        %sign3A_416 = arith.subi %sign3A_412, %sign3A_415 : i32
        %sign3A_417 = arith.constant 0 : i32
        %sign3A_418 = arith.cmpi sgt, %jit3A_408, %sign3A_417 : i32
        %sign3A_419 = arith.extui %sign3A_418 : i1 to i32
        %sign3A_420 = arith.constant 0 : i32
        %sign3A_421 = arith.cmpi slt, %jit3A_408, %sign3A_420 : i32
        %sign3A_422 = arith.extui %sign3A_421 : i1 to i32
        %sign3A_423 = arith.subi %sign3A_419, %sign3A_422 : i32
        %ne3A_424 = arith.cmpi ne, %sign3A_416, %sign3A_423 : i32
        %rem3A_425 = arith.remsi %add3A_269, %jit3A_408 : i32
        %ne3A_426 = arith.constant 0 : i32
        %ne3A_427 = arith.cmpi ne, %rem3A_425, %ne3A_426 : i32
        %and3A_428 = arith.andi %ne3A_424, %ne3A_427 : i1
        %sub3A_429 = arith.constant 1 : i32
        %sub3A_430 = arith.subi %div3A_409, %sub3A_429 : i32
        %select_n3A_431 = arith.select %and3A_428, %sub3A_430, %div3A_409 : i32
        %add3A_432 = arith.addi %mul3A_407, %select_n3A_431 : i32
        %sub3A_433 = arith.subi %add3A_269, %mul3A_389 : i32
        %mul3A_434 = arith.constant 4 : i32
        %mul3A_435 = arith.muli %sub3A_433, %mul3A_434 : i32
        %add3A_436 = vector.broadcast %mul3A_435 : i32 to vector<16xi32>
        %add3A_437 = arith.addi %add3A_436, %iota3A : vector<16xi32>
        %broadcast_in_dim3A_438 = vector.broadcast %add3A_432 : i32 to vector<16xi32>
        %lt3A_439 = arith.constant 4 : i32
        %lt3A_440 = vector.broadcast %lt3A_439 : i32 to vector<16xi32>
        %lt3A_441 = arith.cmpi slt, %iota3A, %lt3A_440 : vector<16xi32>
        tpu.vector_store_idx %arg14[%broadcast_in_dim3A_438, %add3A_437], %select_n3A_363 masked %lt3A_441 : memref<40x64xf32, #tpu.memory_space<vmem>>[vector<16xi32>, vector<16xi32>], vector<16xf32>, vector<16xi1>
        %get3A_442 = arith.constant 0 : i32
        %get3A_443 = arith.index_cast %get3A_442 : i32 to index
        %get3A_444 = arith.index_cast %mul3A_389 : i32 to index
        %get3A_445 = tpu.vector_load %arg9[%get3A_443, %get3A_444] {strides = array<i32>} : memref<1x80xi32, #tpu.memory_space<vmem>>, vector<16xi32>,
        %sub3A_446 = arith.subi %add3A_269, %mul3A_389 : i32
        %broadcast_in_dim3A_447 = vector.broadcast %sub3A_446 : i32 to vector<16xi32>
        %lt3A_448 = arith.constant 0 : i32
        %lt3A_449 = vector.broadcast %lt3A_448 : i32 to vector<16xi32>
        %lt3A_450 = arith.cmpi slt, %broadcast_in_dim3A_447, %lt3A_449 : vector<16xi32>
        %add3A_451 = arith.constant 16 : i32
        %add3A_452 = vector.broadcast %add3A_451 : i32 to vector<16xi32>
        %add3A_453 = arith.addi %broadcast_in_dim3A_447, %add3A_452 : vector<16xi32>
        %select_n3A_454 = arith.select %lt3A_450, %add3A_453, %broadcast_in_dim3A_447 : vector<16xi1>, vector<16xi32>
        %broadcast_in_dim3A_455 = vector.shape_cast %select_n3A_454 : vector<16xi32> to vector<16x1xi32>
        %gather3A = vector.shape_cast %broadcast_in_dim3A_455 : vector<16x1xi32> to vector<16xi32>
        %gather3A_456 = tpu.dynamic_gather %get3A_445[%gather3A] in [0] : vector<16xi32>, vector<16xi32> -> vector<16xi32>
        %jit3A_457 = arith.constant 32 : i32
        %eq3A_458 = arith.constant 0 : i32
        %eq3A_459 = arith.cmpi eq, %jit3A_457, %eq3A_458 : i32
        %jit3A_460 = arith.constant 1 : i32
        %select_n3A_461 = arith.select %eq3A_459, %jit3A_460, %jit3A_457 : i32
        %rem3A_462 = vector.broadcast %select_n3A_461 : i32 to vector<16xi32>
        %rem3A_463 = arith.remsi %gather3A_456, %rem3A_462 : vector<16xi32>
        %ne3A_464 = arith.constant 0 : i32
        %ne3A_465 = vector.broadcast %ne3A_464 : i32 to vector<16xi32>
        %ne3A_466 = arith.cmpi ne, %rem3A_463, %ne3A_465 : vector<16xi32>
        %lt3A_467 = arith.constant 0 : i32
        %lt3A_468 = vector.broadcast %lt3A_467 : i32 to vector<16xi32>
        %lt3A_469 = arith.cmpi slt, %rem3A_463, %lt3A_468 : vector<16xi32>
        %lt3A_470 = arith.constant 0 : i32
        %lt3A_471 = arith.cmpi slt, %select_n3A_461, %lt3A_470 : i32
        %ne3A_472 = vector.broadcast %lt3A_471 : i1 to vector<16xi1>
        %ne3A_473 = vector.broadcast %ne3A_472 : vector<16xi1> to vector<16xi1>
        %ne3A_474 = arith.xori %lt3A_469, %ne3A_473 : vector<16xi1>
        %and3A_475 = arith.andi %ne3A_474, %ne3A_466 : vector<16xi1>
        %add3A_476 = vector.broadcast %select_n3A_461 : i32 to vector<16xi32>
        %add3A_477 = arith.addi %rem3A_463, %add3A_476 : vector<16xi32>
        %select_n3A_478 = arith.select %and3A_475, %add3A_477, %rem3A_463 : vector<16xi1>, vector<16xi32>
        %mul3A_479 = arith.constant 4 : i32
        %mul3A_480 = vector.broadcast %mul3A_479 : i32 to vector<16xi32>
        %mul3A_481 = arith.muli %select_n3A_478, %mul3A_480 : vector<16xi32>
        %add3A_482 = arith.addi %mul3A_481, %iota3A : vector<16xi32>
        %broadcast_in_dim3A_483 = vector.broadcast %add3A_269 : i32 to vector<16xi32>
        %lt3A_484 = arith.constant 4 : i32
        %lt3A_485 = vector.broadcast %lt3A_484 : i32 to vector<16xi32>
        %lt3A_486 = arith.cmpi slt, %iota3A, %lt3A_485 : vector<16xi32>
        tpu.vector_store_idx %arg13[%broadcast_in_dim3A_483, %add3A_482], %select_n3A_363 masked %lt3A_486 : memref<80x128xf32, #tpu.memory_space<vmem>>[vector<16xi32>, vector<16xi32>], vector<16xf32>, vector<16xi1>
      }
      %scan3A_236 = arith.constant 80 : i32
      %run_scoped3A_237 = arith.constant 0 : i32
      "tpu.region"() ({
        %run_scoped3A_265 = tpu.sem_alloc : memref<!tpu.dma_semaphore, #tpu.memory_space<semaphore_mem>>
        %dma_start3A_266 = arith.constant 0 : i32
        %dma_start3A_267 = tpu.memref_slice %arg10[%run_scoped3A_237, %dma_start3A_266] : memref<1x80xi32, #tpu.memory_space<vmem>> -> memref<1x80xi32, #tpu.memory_space<vmem>>
        %dma_start3A_268 = tpu.memref_squeeze %dma_start3A_267 : memref<1x80xi32, #tpu.memory_space<vmem>> -> memref<80xi32, #tpu.memory_space<vmem>>
        %dma_start3A_269 = arith.constant 0 : i32
        %dma_start3A_270 = arith.constant 0 : i32
        %dma_start3A_271 = tpu.memref_slice %arg15[%dma_start3A_269, %dma_start3A_270] : memref<320x128xf32, #tpu.memory_space<vmem_shared>> -> memref<320x128xf32, #tpu.memory_space<vmem_shared>>
        tpu.enqueue_indirect_dma source(%arg13 : memref<80x128xf32, #tpu.memory_space<vmem>>) target(%dma_start3A_271 : memref<320x128xf32, #tpu.memory_space<vmem_shared>>) offsets(%dma_start3A_268 : memref<80xi32, #tpu.memory_space<vmem>>) semaphore(%run_scoped3A_265 : memref<!tpu.dma_semaphore, #tpu.memory_space<semaphore_mem>>) {add = true}
        %dma_wait3A_272 = arith.constant 0 : i32
        %dma_wait3A_273 = tpu.memref_slice %arg10[%run_scoped3A_237, %dma_wait3A_272] : memref<1x80xi32, #tpu.memory_space<vmem>> -> memref<1x80xi32, #tpu.memory_space<vmem>>
        %dma_wait3A_274 = tpu.memref_squeeze %dma_wait3A_273 : memref<1x80xi32, #tpu.memory_space<vmem>> -> memref<80xi32, #tpu.memory_space<vmem>>
        %dma_wait3A_275 = arith.constant 0 : i32
        %dma_wait3A_276 = arith.constant 0 : i32
        %dma_wait3A_277 = tpu.memref_slice %arg15[%dma_wait3A_275, %dma_wait3A_276] : memref<320x128xf32, #tpu.memory_space<vmem_shared>> -> memref<320x128xf32, #tpu.memory_space<vmem_shared>>
        tpu.wait_indirect_dma semaphore(%run_scoped3A_265 : memref<!tpu.dma_semaphore, #tpu.memory_space<semaphore_mem>>) src(%arg13 : memref<80x128xf32, #tpu.memory_space<vmem>>) dst(%dma_wait3A_277 : memref<320x128xf32, #tpu.memory_space<vmem_shared>>)
        tpu.yield
      }) : () -> ()
      %scan3A_238 = arith.constant 0 : i32
      %scan3A_239 = arith.constant 80 : i32
      %scan3A_240 = arith.addi %scan3A_238, %scan3A_239 : i32
      %scan3A_241 = arith.constant 1 : i32
      scf.for %scan3A_265 = %scan3A_238 to %scan3A_240 step %scan3A_241  : i32 {
        %mul3A_266 = arith.constant 1 : i32
        %mul3A_267 = arith.muli %scan3A_265, %mul3A_266 : i32
        %add3A_268 = arith.constant 0 : i32
        %add3A_269 = arith.addi %add3A_268, %mul3A_267 : i32
        %jit3A_270 = arith.constant 16 : i32
        %div3A_271 = arith.divsi %add3A_269, %jit3A_270 : i32
        %sign3A_272 = arith.constant 0 : i32
        %sign3A_273 = arith.cmpi sgt, %add3A_269, %sign3A_272 : i32
        %sign3A_274 = arith.extui %sign3A_273 : i1 to i32
        %sign3A_275 = arith.constant 0 : i32
        %sign3A_276 = arith.cmpi slt, %add3A_269, %sign3A_275 : i32
        %sign3A_277 = arith.extui %sign3A_276 : i1 to i32
        %sign3A_278 = arith.subi %sign3A_274, %sign3A_277 : i32
        %sign3A_279 = arith.constant 0 : i32
        %sign3A_280 = arith.cmpi sgt, %jit3A_270, %sign3A_279 : i32
        %sign3A_281 = arith.extui %sign3A_280 : i1 to i32
        %sign3A_282 = arith.constant 0 : i32
        %sign3A_283 = arith.cmpi slt, %jit3A_270, %sign3A_282 : i32
        %sign3A_284 = arith.extui %sign3A_283 : i1 to i32
        %sign3A_285 = arith.subi %sign3A_281, %sign3A_284 : i32
        %ne3A_286 = arith.cmpi ne, %sign3A_278, %sign3A_285 : i32
        %rem3A_287 = arith.remsi %add3A_269, %jit3A_270 : i32
        %ne3A_288 = arith.constant 0 : i32
        %ne3A_289 = arith.cmpi ne, %rem3A_287, %ne3A_288 : i32
        %and3A_290 = arith.andi %ne3A_286, %ne3A_289 : i1
        %sub3A_291 = arith.constant 1 : i32
        %sub3A_292 = arith.subi %div3A_271, %sub3A_291 : i32
        %select_n3A_293 = arith.select %and3A_290, %sub3A_292, %div3A_271 : i32
        %mul3A_294 = arith.constant 16 : i32
        %mul3A_295 = arith.muli %select_n3A_293, %mul3A_294 : i32
        %get3A_296 = arith.constant 0 : i32
        %get3A_297 = arith.index_cast %get3A_296 : i32 to index
        %get3A_298 = arith.index_cast %mul3A_295 : i32 to index
        %get3A_299 = tpu.vector_load %arg9[%get3A_297, %get3A_298] {strides = array<i32>} : memref<1x80xi32, #tpu.memory_space<vmem>>, vector<16xi32>,
        %sub3A_300 = arith.subi %add3A_269, %mul3A_295 : i32
        %broadcast_in_dim3A_301 = vector.broadcast %sub3A_300 : i32 to vector<16xi32>
        %lt3A_302 = arith.constant 0 : i32
        %lt3A_303 = vector.broadcast %lt3A_302 : i32 to vector<16xi32>
        %lt3A_304 = arith.cmpi slt, %broadcast_in_dim3A_301, %lt3A_303 : vector<16xi32>
        %add3A_305 = arith.constant 16 : i32
        %add3A_306 = vector.broadcast %add3A_305 : i32 to vector<16xi32>
        %add3A_307 = arith.addi %broadcast_in_dim3A_301, %add3A_306 : vector<16xi32>
        %select_n3A_308 = arith.select %lt3A_304, %add3A_307, %broadcast_in_dim3A_301 : vector<16xi1>, vector<16xi32>
        %broadcast_in_dim3A_309 = vector.shape_cast %select_n3A_308 : vector<16xi32> to vector<16x1xi32>
        %gather3A = vector.shape_cast %broadcast_in_dim3A_309 : vector<16x1xi32> to vector<16xi32>
        %gather3A_310 = tpu.dynamic_gather %get3A_299[%gather3A] in [0] : vector<16xi32>, vector<16xi32> -> vector<16xi32>
        %jit3A_311 = arith.constant 32 : i32
        %eq3A_312 = arith.constant 0 : i32
        %eq3A_313 = arith.cmpi eq, %jit3A_311, %eq3A_312 : i32
        %jit3A_314 = arith.constant 1 : i32
        %select_n3A_315 = arith.select %eq3A_313, %jit3A_314, %jit3A_311 : i32
        %rem3A_316 = vector.broadcast %select_n3A_315 : i32 to vector<16xi32>
        %rem3A_317 = arith.remsi %gather3A_310, %rem3A_316 : vector<16xi32>
        %ne3A_318 = arith.constant 0 : i32
        %ne3A_319 = vector.broadcast %ne3A_318 : i32 to vector<16xi32>
        %ne3A_320 = arith.cmpi ne, %rem3A_317, %ne3A_319 : vector<16xi32>
        %lt3A_321 = arith.constant 0 : i32
        %lt3A_322 = vector.broadcast %lt3A_321 : i32 to vector<16xi32>
        %lt3A_323 = arith.cmpi slt, %rem3A_317, %lt3A_322 : vector<16xi32>
        %lt3A_324 = arith.constant 0 : i32
        %lt3A_325 = arith.cmpi slt, %select_n3A_315, %lt3A_324 : i32
        %ne3A_326 = vector.broadcast %lt3A_325 : i1 to vector<16xi1>
        %ne3A_327 = vector.broadcast %ne3A_326 : vector<16xi1> to vector<16xi1>
        %ne3A_328 = arith.xori %lt3A_323, %ne3A_327 : vector<16xi1>
        %and3A_329 = arith.andi %ne3A_328, %ne3A_320 : vector<16xi1>
        %add3A_330 = vector.broadcast %select_n3A_315 : i32 to vector<16xi32>
        %add3A_331 = arith.addi %rem3A_317, %add3A_330 : vector<16xi32>
        %select_n3A_332 = arith.select %and3A_329, %add3A_331, %rem3A_317 : vector<16xi1>, vector<16xi32>
        %mul3A_333 = arith.constant 4 : i32
        %mul3A_334 = vector.broadcast %mul3A_333 : i32 to vector<16xi32>
        %mul3A_335 = arith.muli %select_n3A_332, %mul3A_334 : vector<16xi32>
        %add3A_336 = arith.addi %mul3A_335, %iota3A : vector<16xi32>
        %broadcast_in_dim3A_337 = vector.broadcast %add3A_269 : i32 to vector<16xi32>
        %lt3A_338 = arith.constant 4 : i32
        %lt3A_339 = vector.broadcast %lt3A_338 : i32 to vector<16xi32>
        %lt3A_340 = arith.cmpi slt, %iota3A, %lt3A_339 : vector<16xi32>
        tpu.vector_store_idx %arg13[%broadcast_in_dim3A_337, %add3A_336], %broadcast_in_dim3A_1 masked %lt3A_340 : memref<80x128xf32, #tpu.memory_space<vmem>>[vector<16xi32>, vector<16xi32>], vector<16xf32>, vector<16xi1>
      }
      %scan3A_242 = arith.constant 80 : i32
      %jit3A_243 = arith.constant 8 : i32
      %eq3A = arith.constant 0 : i32
      %eq3A_244 = arith.cmpi eq, %jit3A_243, %eq3A : i32
      %jit3A_245 = arith.constant 1 : i32
      %select_n3A_246 = arith.select %eq3A_244, %jit3A_245, %jit3A_243 : i32
      %rem3A_247 = arith.remsi %add3A_23, %select_n3A_246 : i32
      %ne3A_248 = arith.constant 0 : i32
      %ne3A_249 = arith.cmpi ne, %rem3A_247, %ne3A_248 : i32
      %lt3A_250 = arith.constant 0 : i32
      %lt3A_251 = arith.cmpi slt, %rem3A_247, %lt3A_250 : i32
      %lt3A_252 = arith.constant 0 : i32
      %lt3A_253 = arith.cmpi slt, %select_n3A_246, %lt3A_252 : i32
      %ne3A_254 = arith.xori %lt3A_251, %lt3A_253 : i1
      %and3A_255 = arith.andi %ne3A_254, %ne3A_249 : i1
      %add3A_256 = arith.addi %rem3A_247, %select_n3A_246 : i32
      %select_n3A_257 = arith.select %and3A_255, %add3A_256, %rem3A_247 : i32
      %eq3A_258 = arith.constant 7 : i32
      %eq3A_259 = arith.cmpi eq, %select_n3A_257, %eq3A_258 : i32
      %eq3A_260 = arith.constant 124 : i32
      %eq3A_261 = arith.cmpi eq, %add3A_23, %eq3A_260 : i32
      %or3A = arith.ori %eq3A_259, %eq3A_261 : i1
      %convert_element_type3A_262 = arith.extui %or3A : i1 to i32
      %cond3A_263 = arith.constant 0 : i32
      %cond3A_264 = arith.cmpi ne, %convert_element_type3A_262, %cond3A_263 : i32
      scf.if %cond3A_264 {
        %jit3A_265 = arith.constant 8 : i32
        %div3A_266 = arith.divsi %add3A_23, %jit3A_265 : i32
        %sign3A_267 = arith.constant 0 : i32
        %sign3A_268 = arith.cmpi sgt, %add3A_23, %sign3A_267 : i32
        %sign3A_269 = arith.extui %sign3A_268 : i1 to i32
        %sign3A_270 = arith.constant 0 : i32
        %sign3A_271 = arith.cmpi slt, %add3A_23, %sign3A_270 : i32
        %sign3A_272 = arith.extui %sign3A_271 : i1 to i32
        %sign3A_273 = arith.subi %sign3A_269, %sign3A_272 : i32
        %sign3A_274 = arith.constant 0 : i32
        %sign3A_275 = arith.cmpi sgt, %jit3A_265, %sign3A_274 : i32
        %sign3A_276 = arith.extui %sign3A_275 : i1 to i32
        %sign3A_277 = arith.constant 0 : i32
        %sign3A_278 = arith.cmpi slt, %jit3A_265, %sign3A_277 : i32
        %sign3A_279 = arith.extui %sign3A_278 : i1 to i32
        %sign3A_280 = arith.subi %sign3A_276, %sign3A_279 : i32
        %ne3A_281 = arith.cmpi ne, %sign3A_273, %sign3A_280 : i32
        %rem3A_282 = arith.remsi %add3A_23, %jit3A_265 : i32
        %ne3A_283 = arith.constant 0 : i32
        %ne3A_284 = arith.cmpi ne, %rem3A_282, %ne3A_283 : i32
        %and3A_285 = arith.andi %ne3A_281, %ne3A_284 : i1
        %sub3A_286 = arith.constant 1 : i32
        %sub3A_287 = arith.subi %div3A_266, %sub3A_286 : i32
        %select_n3A_288 = arith.select %and3A_285, %sub3A_287, %div3A_266 : i32
        %mul3A_289 = arith.constant 40 : i32
        %mul3A_290 = arith.muli %select_n3A_288, %mul3A_289 : i32
        "tpu.region"() ({
          %run_scoped3A_291 = tpu.sem_alloc : memref<!tpu.dma_semaphore, #tpu.memory_space<semaphore_mem>>
          %dma_start3A_292 = arith.constant 0 : i32
          %dma_start3A_293 = tpu.memref_slice %arg6[%add3A, %mul3A_290, %dma_start3A_292] : memref<32x640x64xf32, #tpu.memory_space<hbm>> -> memref<1x40x64xf32, #tpu.memory_space<hbm>>
          %dma_start3A_294 = tpu.memref_squeeze %dma_start3A_293 : memref<1x40x64xf32, #tpu.memory_space<hbm>> -> memref<40x64xf32, #tpu.memory_space<hbm>>
          %dma_start3A_295 = arith.constant 0 : i32
          %dma_start3A_296 = tpu.memref_slice %arg6[%add3A, %mul3A_290, %dma_start3A_295] : memref<32x640x64xf32, #tpu.memory_space<hbm>> -> memref<1x40x64xf32, #tpu.memory_space<hbm>>
          %dma_start3A_297 = tpu.memref_squeeze %dma_start3A_296 : memref<1x40x64xf32, #tpu.memory_space<hbm>> -> memref<40x64xf32, #tpu.memory_space<hbm>>
          tpu.enqueue_dma source(%arg14 : memref<40x64xf32, #tpu.memory_space<vmem>>) target(%dma_start3A_297 : memref<40x64xf32, #tpu.memory_space<hbm>>) target_semaphore(%run_scoped3A_291 : memref<!tpu.dma_semaphore, #tpu.memory_space<semaphore_mem>>)
          %dma_wait3A_298 = arith.constant 0 : i32
          %dma_wait3A_299 = tpu.memref_slice %arg6[%add3A, %mul3A_290, %dma_wait3A_298] : memref<32x640x64xf32, #tpu.memory_space<hbm>> -> memref<1x40x64xf32, #tpu.memory_space<hbm>>
          %dma_wait3A_300 = tpu.memref_squeeze %dma_wait3A_299 : memref<1x40x64xf32, #tpu.memory_space<hbm>> -> memref<40x64xf32, #tpu.memory_space<hbm>>
          %dma_wait3A_301 = arith.constant 0 : i32
          %dma_wait3A_302 = tpu.memref_slice %arg6[%add3A, %mul3A_290, %dma_wait3A_301] : memref<32x640x64xf32, #tpu.memory_space<hbm>> -> memref<1x40x64xf32, #tpu.memory_space<hbm>>
          %dma_wait3A_303 = tpu.memref_squeeze %dma_wait3A_302 : memref<1x40x64xf32, #tpu.memory_space<hbm>> -> memref<40x64xf32, #tpu.memory_space<hbm>>
          tpu.wait_dma2 semaphore(%run_scoped3A_291 : memref<!tpu.dma_semaphore, #tpu.memory_space<semaphore_mem>>) src(%arg14 : memref<40x64xf32, #tpu.memory_space<vmem>>) dst(%dma_wait3A_303 : memref<40x64xf32, #tpu.memory_space<hbm>>)
          tpu.yield
        }) : () -> ()
      } else {
      }
    }
    %scan3A_12 = arith.constant 125 : i32
    %barrier3A_13 = arith.constant 0 : index
    tpu.barrier barrier_id(%barrier3A_13)
    %lt3A_14 = arith.constant 4 : i32
    %lt3A_15 = arith.cmpi slt, %arg1, %lt3A_14 : i32
    %convert_element_type3A_16 = arith.extui %lt3A_15 : i1 to i32
    %cond3A_17 = arith.constant 0 : i32
    %cond3A_18 = arith.cmpi ne, %convert_element_type3A_16, %cond3A_17 : i32
    scf.if %cond3A_18 {
      %mul3A_19 = arith.constant 80 : i32
      %mul3A_20 = arith.muli %arg1, %mul3A_19 : i32
      %mul3A_21 = arith.constant 80 : i32
      %mul3A_22 = arith.muli %arg1, %mul3A_21 : i32
      "tpu.region"() ({
        %run_scoped3A = tpu.sem_alloc : memref<!tpu.dma_semaphore, #tpu.memory_space<semaphore_mem>>
        %dma_start3A = arith.constant 0 : i32
        %dma_start3A_23 = tpu.memref_slice %arg7[%arg0, %mul3A_22, %dma_start3A] : memref<2x320x128xf32, #tpu.memory_space<hbm>> -> memref<1x80x128xf32, #tpu.memory_space<hbm>>
        %dma_start3A_24 = tpu.memref_squeeze %dma_start3A_23 : memref<1x80x128xf32, #tpu.memory_space<hbm>> -> memref<80x128xf32, #tpu.memory_space<hbm>>
        %dma_start3A_25 = arith.constant 0 : i32
        %dma_start3A_26 = tpu.memref_slice %arg15[%mul3A_20, %dma_start3A_25] : memref<320x128xf32, #tpu.memory_space<vmem_shared>> -> memref<80x128xf32, #tpu.memory_space<vmem_shared>>
        tpu.enqueue_dma source(%dma_start3A_26 : memref<80x128xf32, #tpu.memory_space<vmem_shared>>) target(%dma_start3A_24 : memref<80x128xf32, #tpu.memory_space<hbm>>) target_semaphore(%run_scoped3A : memref<!tpu.dma_semaphore, #tpu.memory_space<semaphore_mem>>)
        %dma_wait3A = arith.constant 0 : i32
        %dma_wait3A_27 = tpu.memref_slice %arg7[%arg0, %mul3A_22, %dma_wait3A] : memref<2x320x128xf32, #tpu.memory_space<hbm>> -> memref<1x80x128xf32, #tpu.memory_space<hbm>>
        %dma_wait3A_28 = tpu.memref_squeeze %dma_wait3A_27 : memref<1x80x128xf32, #tpu.memory_space<hbm>> -> memref<80x128xf32, #tpu.memory_space<hbm>>
        %dma_wait3A_29 = arith.constant 0 : i32
        %dma_wait3A_30 = tpu.memref_slice %arg15[%mul3A_20, %dma_wait3A_29] : memref<320x128xf32, #tpu.memory_space<vmem_shared>> -> memref<80x128xf32, #tpu.memory_space<vmem_shared>>
        tpu.wait_dma2 semaphore(%run_scoped3A : memref<!tpu.dma_semaphore, #tpu.memory_space<semaphore_mem>>) src(%dma_wait3A_30 : memref<80x128xf32, #tpu.memory_space<vmem_shared>>) dst(%dma_wait3A_28 : memref<80x128xf32, #tpu.memory_space<hbm>>)
        tpu.yield
      }) : () -> ()
    } else {
    }
    return
  }
}

module attributes {stable_mosaic.version = 14 : i64} {
  func.func @_proj_body(%arg0: i32, %arg1: memref<1000x128xf32, #tpu.memory_space<vmem>>, %arg2: memref<128x128xf32, #tpu.memory_space<vmem>>, %arg3: memref<128x128xf32, #tpu.memory_space<vmem>>, %arg4: memref<128x128xf32, #tpu.memory_space<vmem>>, %arg5: memref<128x128xf32, #tpu.memory_space<vmem>>, %arg6: memref<1000x128xf32, #tpu.memory_space<vmem>>, %arg7: memref<1000x128xf32, #tpu.memory_space<vmem>>, %arg8: memref<1000x4x128xf32, #tpu.memory_space<vmem>>) attributes {dimension_semantics = [#tpu.dimension_semantics<arbitrary>], iteration_bounds = array<i64: 10>, scalar_prefetch = 0 : i64, scratch_operands = 0 : i64, tpu.core_type = #tpu.core_type<tc>, window_params = [{transform_indices = @transform_0, window_bounds = array<i64: 1000, 128>}, {pipeline_mode = #tpu.pipeline_mode<synchronous>, transform_indices = @transform_1, window_bounds = array<i64: 128, 128>}, {pipeline_mode = #tpu.pipeline_mode<synchronous>, transform_indices = @transform_2, window_bounds = array<i64: 128, 128>}, {pipeline_mode = #tpu.pipeline_mode<synchronous>, transform_indices = @transform_3, window_bounds = array<i64: 128, 128>}, {pipeline_mode = #tpu.pipeline_mode<synchronous>, transform_indices = @transform_4, window_bounds = array<i64: 128, 128>}, {transform_indices = @transform_5, window_bounds = array<i64: 1000, 128>}, {transform_indices = @transform_6, window_bounds = array<i64: 1000, 128>}, {transform_indices = @transform_7, window_bounds = array<i64: 1000, 4, 128>}]} {
    %get3A = arith.constant 0 : index
    %get3A_0 = arith.constant 0 : index
    %get3A_1 = vector.load %arg1[%get3A, %get3A_0] : memref<1000x128xf32, #tpu.memory_space<vmem>>, vector<1000x128xf32>
    %get3A_2 = arith.constant 0 : index
    %get3A_3 = arith.constant 0 : index
    %get3A_4 = vector.load %arg2[%get3A_2, %get3A_3] : memref<128x128xf32, #tpu.memory_space<vmem>>, vector<128x128xf32>
    %dot_general3A = arith.constant dense<0.000000e+00> : vector<1000x128xf32>
    %dot_general3A_5 = tpu.matmul %get3A_1, %get3A_4, %dot_general3A {dimension_numbers = #tpu.dot_dimension_numbers<[1], [1], [0], [0], [0, 0, 1, 0], [], []>, transpose_lhs_hint = false} : vector<1000x128xf32>, vector<128x128xf32>, vector<1000x128xf32> -> vector<1000x128xf32>
    %swap3A = arith.constant 0 : index
    %swap3A_6 = arith.constant 0 : index
    %swap3A_7 = vector.load %arg6[%swap3A, %swap3A_6] : memref<1000x128xf32, #tpu.memory_space<vmem>>, vector<1000x128xf32>
    tpu.vector_store %arg6[%swap3A, %swap3A_6], %dot_general3A_5 {strides = array<i32>} : memref<1000x128xf32, #tpu.memory_space<vmem>>, vector<1000x128xf32>,
    %get3A_8 = arith.constant 0 : index
    %get3A_9 = arith.constant 0 : index
    %get3A_10 = vector.load %arg3[%get3A_8, %get3A_9] : memref<128x128xf32, #tpu.memory_space<vmem>>, vector<128x128xf32>
    %dot_general3A_11 = arith.constant dense<0.000000e+00> : vector<1000x128xf32>
    %dot_general3A_12 = tpu.matmul %get3A_1, %get3A_10, %dot_general3A_11 {dimension_numbers = #tpu.dot_dimension_numbers<[1], [1], [0], [0], [0, 0, 1, 0], [], []>, transpose_lhs_hint = false} : vector<1000x128xf32>, vector<128x128xf32>, vector<1000x128xf32> -> vector<1000x128xf32>
    %swap3A_13 = arith.constant 0 : index
    %swap3A_14 = arith.constant 0 : index
    %swap3A_15 = vector.load %arg7[%swap3A_13, %swap3A_14] : memref<1000x128xf32, #tpu.memory_space<vmem>>, vector<1000x128xf32>
    tpu.vector_store %arg7[%swap3A_13, %swap3A_14], %dot_general3A_12 {strides = array<i32>} : memref<1000x128xf32, #tpu.memory_space<vmem>>, vector<1000x128xf32>,
    %get3A_16 = arith.constant 0 : index
    %get3A_17 = arith.constant 0 : index
    %get3A_18 = vector.load %arg4[%get3A_16, %get3A_17] : memref<128x128xf32, #tpu.memory_space<vmem>>, vector<128x128xf32>
    %dot_general3A_19 = arith.constant dense<0.000000e+00> : vector<1000x128xf32>
    %dot_general3A_20 = tpu.matmul %get3A_1, %get3A_18, %dot_general3A_19 {dimension_numbers = #tpu.dot_dimension_numbers<[1], [1], [0], [0], [0, 0, 1, 0], [], []>, transpose_lhs_hint = false} : vector<1000x128xf32>, vector<128x128xf32>, vector<1000x128xf32> -> vector<1000x128xf32>
    %get3A_21 = arith.constant 0 : index
    %get3A_22 = arith.constant 0 : index
    %get3A_23 = vector.load %arg5[%get3A_21, %get3A_22] : memref<128x128xf32, #tpu.memory_space<vmem>>, vector<128x128xf32>
    %slice3A = vector.extract_strided_slice %dot_general3A_20 {offsets = [0, 0], sizes = [1000, 32], strides = [1, 1]} : vector<1000x128xf32> to vector<1000x32xf32>
    %slice3A_24 = vector.extract_strided_slice %get3A_23 {offsets = [0, 0], sizes = [128, 32], strides = [1, 1]} : vector<128x128xf32> to vector<128x32xf32>
    %dot_general3A_25 = arith.constant dense<0.000000e+00> : vector<1000x128xf32>
    %dot_general3A_26 = tpu.matmul %slice3A, %slice3A_24, %dot_general3A_25 {dimension_numbers = #tpu.dot_dimension_numbers<[1], [1], [0], [0], [0, 0, 1, 0], [], []>, transpose_lhs_hint = false} : vector<1000x32xf32>, vector<128x32xf32>, vector<1000x128xf32> -> vector<1000x128xf32>
    %swap3A_27 = arith.constant 0 : index
    %swap3A_28 = arith.constant 0 : index
    %swap3A_29 = arith.constant 0 : index
    %swap3A_30 = vector.load %arg8[%swap3A_27, %swap3A_28, %swap3A_29] : memref<1000x4x128xf32, #tpu.memory_space<vmem>>, vector<1000x1x128xf32>
    %swap3A_31 = vector.shape_cast %swap3A_30 : vector<1000x1x128xf32> to vector<1000x128xf32>
    %swap3A_32 = vector.shape_cast %dot_general3A_26 : vector<1000x128xf32> to vector<1000x1x128xf32>
    tpu.vector_store %arg8[%swap3A_27, %swap3A_28, %swap3A_29], %swap3A_32 {strides = array<i32>} : memref<1000x4x128xf32, #tpu.memory_space<vmem>>, vector<1000x1x128xf32>,
    %slice3A_33 = vector.extract_strided_slice %dot_general3A_20 {offsets = [0, 32], sizes = [1000, 32], strides = [1, 1]} : vector<1000x128xf32> to vector<1000x32xf32>
    %slice3A_34 = vector.extract_strided_slice %get3A_23 {offsets = [0, 32], sizes = [128, 32], strides = [1, 1]} : vector<128x128xf32> to vector<128x32xf32>
    %dot_general3A_35 = arith.constant dense<0.000000e+00> : vector<1000x128xf32>
    %dot_general3A_36 = tpu.matmul %slice3A_33, %slice3A_34, %dot_general3A_35 {dimension_numbers = #tpu.dot_dimension_numbers<[1], [1], [0], [0], [0, 0, 1, 0], [], []>, transpose_lhs_hint = false} : vector<1000x32xf32>, vector<128x32xf32>, vector<1000x128xf32> -> vector<1000x128xf32>
    %swap3A_37 = arith.constant 0 : index
    %swap3A_38 = arith.constant 1 : index
    %swap3A_39 = arith.constant 0 : index
    %swap3A_40 = vector.load %arg8[%swap3A_37, %swap3A_38, %swap3A_39] : memref<1000x4x128xf32, #tpu.memory_space<vmem>>, vector<1000x1x128xf32>
    %swap3A_41 = vector.shape_cast %swap3A_40 : vector<1000x1x128xf32> to vector<1000x128xf32>
    %swap3A_42 = vector.shape_cast %dot_general3A_36 : vector<1000x128xf32> to vector<1000x1x128xf32>
    tpu.vector_store %arg8[%swap3A_37, %swap3A_38, %swap3A_39], %swap3A_42 {strides = array<i32>} : memref<1000x4x128xf32, #tpu.memory_space<vmem>>, vector<1000x1x128xf32>,
    %slice3A_43 = vector.extract_strided_slice %dot_general3A_20 {offsets = [0, 64], sizes = [1000, 32], strides = [1, 1]} : vector<1000x128xf32> to vector<1000x32xf32>
    %slice3A_44 = vector.extract_strided_slice %get3A_23 {offsets = [0, 64], sizes = [128, 32], strides = [1, 1]} : vector<128x128xf32> to vector<128x32xf32>
    %dot_general3A_45 = arith.constant dense<0.000000e+00> : vector<1000x128xf32>
    %dot_general3A_46 = tpu.matmul %slice3A_43, %slice3A_44, %dot_general3A_45 {dimension_numbers = #tpu.dot_dimension_numbers<[1], [1], [0], [0], [0, 0, 1, 0], [], []>, transpose_lhs_hint = false} : vector<1000x32xf32>, vector<128x32xf32>, vector<1000x128xf32> -> vector<1000x128xf32>
    %swap3A_47 = arith.constant 0 : index
    %swap3A_48 = arith.constant 2 : index
    %swap3A_49 = arith.constant 0 : index
    %swap3A_50 = vector.load %arg8[%swap3A_47, %swap3A_48, %swap3A_49] : memref<1000x4x128xf32, #tpu.memory_space<vmem>>, vector<1000x1x128xf32>
    %swap3A_51 = vector.shape_cast %swap3A_50 : vector<1000x1x128xf32> to vector<1000x128xf32>
    %swap3A_52 = vector.shape_cast %dot_general3A_46 : vector<1000x128xf32> to vector<1000x1x128xf32>
    tpu.vector_store %arg8[%swap3A_47, %swap3A_48, %swap3A_49], %swap3A_52 {strides = array<i32>} : memref<1000x4x128xf32, #tpu.memory_space<vmem>>, vector<1000x1x128xf32>,
    %slice3A_53 = vector.extract_strided_slice %dot_general3A_20 {offsets = [0, 96], sizes = [1000, 32], strides = [1, 1]} : vector<1000x128xf32> to vector<1000x32xf32>
    %slice3A_54 = vector.extract_strided_slice %get3A_23 {offsets = [0, 96], sizes = [128, 32], strides = [1, 1]} : vector<128x128xf32> to vector<128x32xf32>
    %dot_general3A_55 = arith.constant dense<0.000000e+00> : vector<1000x128xf32>
    %dot_general3A_56 = tpu.matmul %slice3A_53, %slice3A_54, %dot_general3A_55 {dimension_numbers = #tpu.dot_dimension_numbers<[1], [1], [0], [0], [0, 0, 1, 0], [], []>, transpose_lhs_hint = false} : vector<1000x32xf32>, vector<128x32xf32>, vector<1000x128xf32> -> vector<1000x128xf32>
    %swap3A_57 = arith.constant 0 : index
    %swap3A_58 = arith.constant 3 : index
    %swap3A_59 = arith.constant 0 : index
    %swap3A_60 = vector.load %arg8[%swap3A_57, %swap3A_58, %swap3A_59] : memref<1000x4x128xf32, #tpu.memory_space<vmem>>, vector<1000x1x128xf32>
    %swap3A_61 = vector.shape_cast %swap3A_60 : vector<1000x1x128xf32> to vector<1000x128xf32>
    %swap3A_62 = vector.shape_cast %dot_general3A_56 : vector<1000x128xf32> to vector<1000x1x128xf32>
    tpu.vector_store %arg8[%swap3A_57, %swap3A_58, %swap3A_59], %swap3A_62 {strides = array<i32>} : memref<1000x4x128xf32, #tpu.memory_space<vmem>>, vector<1000x1x128xf32>,
    return
  }
  func.func @transform_0(%arg0: i32) -> (i32, i32) {
    %c0_i32 = arith.constant 0 : i32
    %c0_i32_0 = arith.constant 0 : i32
    return %arg0, %c0_i32 : i32, i32
  }
  func.func @transform_1(%arg0: i32) -> (i32, i32) {
    %c0_i32 = arith.constant 0 : i32
    %c0_i32_0 = arith.constant 0 : i32
    %c0_i32_1 = arith.constant 0 : i32
    return %c0_i32, %c0_i32_0 : i32, i32
  }
  func.func @transform_2(%arg0: i32) -> (i32, i32) {
    %c0_i32 = arith.constant 0 : i32
    %c0_i32_0 = arith.constant 0 : i32
    %c0_i32_1 = arith.constant 0 : i32
    return %c0_i32, %c0_i32_0 : i32, i32
  }
  func.func @transform_3(%arg0: i32) -> (i32, i32) {
    %c0_i32 = arith.constant 0 : i32
    %c0_i32_0 = arith.constant 0 : i32
    %c0_i32_1 = arith.constant 0 : i32
    return %c0_i32, %c0_i32_0 : i32, i32
  }
  func.func @transform_4(%arg0: i32) -> (i32, i32) {
    %c0_i32 = arith.constant 0 : i32
    %c0_i32_0 = arith.constant 0 : i32
    %c0_i32_1 = arith.constant 0 : i32
    return %c0_i32, %c0_i32_0 : i32, i32
  }
  func.func @transform_5(%arg0: i32) -> (i32, i32) {
    %c0_i32 = arith.constant 0 : i32
    %c0_i32_0 = arith.constant 0 : i32
    return %arg0, %c0_i32 : i32, i32
  }
  func.func @transform_6(%arg0: i32) -> (i32, i32) {
    %c0_i32 = arith.constant 0 : i32
    %c0_i32_0 = arith.constant 0 : i32
    return %arg0, %c0_i32 : i32, i32
  }
  func.func @transform_7(%arg0: i32) -> (i32, i32, i32) {
    %c0_i32 = arith.constant 0 : i32
    %c0_i32_0 = arith.constant 0 : i32
    %c0_i32_1 = arith.constant 0 : i32
    return %arg0, %c0_i32, %c0_i32_0 : i32, i32, i32
  }
}

</mosaic_0001>

<sc_bundles>
// kernel: kernel.5.cloned.1.call-start
scs
__scs_entry_jumppad:
0x0: {  	(pc) =	sbr.rel $0x88, $3  }
0x1: {  	(tag) =	ssettag $0x0;
	lr =	simm.s32 $0x1  }
0x2: {  	[smem:$0x3F9A] =	sst lr;
	_ =	strace $0xD0000000  }
0x3: {  	_ = 	snop  }
0x4: {  	_ = 	snop  }
0x5: {  	_ = 	snop  }
0x6: {  	_ = 	snop  }
0x7: {  	_ = 	snop  }
__scs_overlays_trampoline_lowered:
0x8: {  	[smem:$0x3FA9] =	sst s0  }
0x9: {  	[smem:$0x3FAA] =	sst s1  }
0xa: {  	[smem:$0x3FAB] =	sst s2  }
0xb: {  	[smem:$0x3FAC] =	sst s3  }
0xc: {  	[smem:$0x3FAD] =	sst s4  }
0xd: {  	[smem:$0x3FAE] =	sst s5  }
0xe: {  	[smem:$0x3FAF] =	sst s6  }
0xf: {  	[smem:$0x3FB0] =	sst s7  }
0x10: {  	[smem:$0x3FB1] =	sst s8  }
0x11: {  	[smem:$0x3FB2] =	sst s9;
	s0 =	simm.s32 @!p0 $0x0  }
0x12: {  	s1 =	sld [smem:$0x3F98];
	s0 =	simm.s32 @p0 $0x1  }
0x13: {  	[smem:$0x3FB3] =	sst s0;
	s0 =	simm.s32 @!p1 $0x0  }
0x14: {  	s2 =	sld [smem:$0x3F97];
	s0 =	simm.s32 @p1 $0x1  }
0x15: {  	[smem:$0x3FB4] =	sst s0;
	s0 =	simm.s32 @!p2 $0x0  }
0x16: {  	s3 =	sld [smem:$0x3FDB];
	s0 =	simm.s32 @p2 $0x1  }
0x17: {  	s4 =	simm.s32 $0x1BF5;
	[smem:$0x3FB6] =	sst s0  }
0x18: {  	s0 =	sld [smem:$0x3F99];
	_ =	swait.ge [sflag:s4], $0x0  }
0x19: {  	s7 =	sld [smem:$0x3F9A]  }
0x1a: {  	s8 =	sadd.s32 $0xFFFFE003, lr  }
0x1b: {  	s9 =	sadd.s32 $0xFFFFFEF7, lr;
	s5 =	simm.s32 $0xFFFFFFFF;
	p2 =	slt.u32 s8, $0xFFFFF086  }
0x1c: {  	p1 =	slt.u32 s9, $0xF7A;
	s5 =	simm.s32 @!p2 $0x0  }
0x1d: {  	s5 =	simm.s32 @p1 $0x1;
	p0 =	seq.s32 s7, s2  }
0x1e: {  	s7 =	smul.u32 @!p0 $0xF7A, s2;
	p2 =	seq.s32 @!p0 s5, $0x0  }
0x1f: {  	s9 =	smul.u32 $0xF7A, s1;
	s8 =	simm.s32 @!p0 $0x1BF5;
	p2 =	por !p2, p0  }
0x20: {  	[sflag:s8] =	ssyncset.s32 @!p0 $0xFFFFF086;
	s6 =	sadd.s32 @!p0 s3, s7;
	s7 =	simm.s32 @!p0 $0x108  }
0x21: {  	s3 =	sadd.s32 s3, s9;
	s6 =	sadd.s32 @!p0 $0x88, s6;
	s7 =	simm.s32 @p2 $0x1082  }
0x22: {  	[simem:s7], [sflag:s8] =	dma.local @!p0 [hbm:s6], $0xF7A  }
0x23: {  	s9 =	sor.u32 $0xD0000000, s2;
	s6 =	simm.s32 $0x108;
	_ =	swait.ge @!p0 [sflag:s8], $0x0  }
0x24: {  	s3 =	sadd.s32 $0x88, s3;
	s6 =	simm.s32 @!p1 $0x1082;
	[sflag:s4] =	ssyncset.s32 $0xFFFFF086  }
0x25: {  	[simem:s6], [sflag:s4] =	dma.local [hbm:s3], $0xF7A  }
0x26: {  	[smem:$0x3F9A] =	sst s1;
	(tag) =	ssettag s2;
	_ =	strace s9  }
0x27: {  	s1 =	sld [smem:$0x3FAA]  }
0x28: {  	s2 =	sld [smem:$0x3FAB]  }
0x29: {  	s4 =	sld [smem:$0x3FAD]  }
0x2a: {  	p0 =	seq.s32 s5, $0x0;
	s5 =	sld [smem:$0x3FAE]  }
0x2b: {  	s6 =	sld [smem:$0x3FAF]  }
0x2c: {  	s7 =	sld [smem:$0x3FB0]  }
0x2d: {  	s3 =	simm.s32 $0x108;
	s8 =	sld [smem:$0x3FB1]  }
0x2e: {  	s3 =	simm.s32 @!p0 $0x1082;
	s9 =	sld [smem:$0x3FB2]  }
0x2f: {  	lr =	sadd.s32 s0, s3;
	s0 =	sld [smem:$0x3FA9]  }
0x30: {  	s3 =	sld [smem:$0x3FAC]  }
0x31: {  	[smem:$0x3FB5] =	sst s10  }
0x32: {  	s10 =	sld [smem:$0x3FB3];
	_ =	sdelay $0x3  }
0x33: {  	p0 =	seq.s32 s10, $0x1;
	s10 =	sld [smem:$0x3FB5];
	_ =	sdelay $0x3  }
0x34: {  	[smem:$0x3FB5] =	sst s10  }
0x35: {  	s10 =	sld [smem:$0x3FB4];
	_ =	sdelay $0x3  }
0x36: {  	p1 =	seq.s32 s10, $0x1;
	s10 =	sld [smem:$0x3FB5];
	_ =	sdelay $0x3  }
0x37: {  	[smem:$0x3FB5] =	sst s10  }
0x38: {  	s10 =	sld [smem:$0x3FB6]  }
0x39: {  	_ = 	snop;
	(pc) =	sbr.ind lr, $3  }
0x3a: {  	_ = 	snop  }
0x3b: {  	_ = 	snop  }
0x3c: {  	p2 =	seq.s32 s10, $0x1;
	s10 =	sld [smem:$0x3FB5]  }
0x3d: {  	_ =	shalt  }
0x3e: {  	_ =	shalt  }
0x3f: {  	_ =	shalt  }
0x40: {  	_ =	shalt  }
0x41: {  	_ =	shalt  }
0x42: {  	_ =	shalt  }
0x43: {  	_ =	shalt  }
0x44: {  	_ =	shalt  }
0x45: {  	_ =	shalt  }
0x46: {  	_ =	shalt  }
0x47: {  	_ =	shalt  }
0x48: {  	_ =	shalt  }
0x49: {  	_ =	shalt  }
0x4a: {  	_ =	shalt  }
0x4b: {  	_ =	shalt  }
0x4c: {  	_ =	shalt  }
0x4d: {  	_ =	shalt  }
0x4e: {  	_ =	shalt  }
0x4f: {  	_ =	shalt  }
0x50: {  	_ =	shalt  }
0x51: {  	_ =	shalt  }
0x52: {  	_ =	shalt  }
0x53: {  	_ =	shalt  }
0x54: {  	_ =	shalt  }
0x55: {  	_ =	shalt  }
0x56: {  	_ =	shalt  }
0x57: {  	_ =	shalt  }
0x58: {  	_ =	shalt  }
0x59: {  	_ =	shalt  }
0x5a: {  	_ =	shalt  }
0x5b: {  	_ =	shalt  }
0x5c: {  	_ =	shalt  }
0x5d: {  	_ =	shalt  }
0x5e: {  	_ =	shalt  }
0x5f: {  	_ =	shalt  }
0x60: {  	_ =	shalt  }
0x61: {  	_ =	shalt  }
0x62: {  	_ =	shalt  }
0x63: {  	_ =	shalt  }
0x64: {  	_ =	shalt  }
0x65: {  	_ =	shalt  }
0x66: {  	_ =	shalt  }
0x67: {  	_ =	shalt  }
0x68: {  	_ =	shalt  }
0x69: {  	_ =	shalt  }
0x6a: {  	_ =	shalt  }
0x6b: {  	_ =	shalt  }
0x6c: {  	_ =	shalt  }
0x6d: {  	_ =	shalt  }
0x6e: {  	_ =	shalt  }
0x6f: {  	_ =	shalt  }
0x70: {  	_ =	shalt  }
0x71: {  	_ =	shalt  }
0x72: {  	_ =	shalt  }
0x73: {  	_ =	shalt  }
0x74: {  	_ =	shalt  }
0x75: {  	_ =	shalt  }
0x76: {  	_ =	shalt  }
0x77: {  	_ =	shalt  }
0x78: {  	_ =	shalt  }
0x79: {  	_ =	shalt  }
0x7a: {  	_ =	shalt  }
0x7b: {  	_ =	shalt  }
0x7c: {  	_ =	shalt  }
0x7d: {  	_ =	shalt  }
0x7e: {  	_ =	shalt  }
0x7f: {  	_ =	shalt  }
0x80: {  	_ =	shalt  }
0x81: {  	_ =	shalt  }
0x82: {  	_ =	shalt  }
0x83: {  	_ =	shalt  }
0x84: {  	_ =	shalt  }
0x85: {  	_ =	shalt  }
0x86: {  	_ =	shalt  }
0x87: {  	_ =	shalt  }
.Lfunc_end0:
.L_simem_size_0:
called_computation_lowered:
.L_overlay_start_0:
0x88: {  	s2 =	sld [smem:$0x3FD9]  }
0x89: {  	s3 =	sld [smem:$0x3FFE];
	_ =	sdelay $0x1  }
0x8a: {  	s1 =	srdreg.scid  }
0x8b: {  	s0 =	sand.u32 $0x1, s1  }
0x8c: {  	s17 =	sshll.u32 s0, $0xA;
	s2 =	sadd.s32 s3, s2  }
0x8d: {  	s2 =	sadd.s32 s2, s17  }
0x8e: {  	[smem:$0x3FC1] =	sst s2  }
0x8f: {  	_ = 	snop  }
0x90: {  	s2 =	sld [smem:$0x3FD0];
	(tm) =	ssettm $0x1  }
0x91: {  	s18 =	sld [smem:$0x3FFB];
	_ =	sdelay $0x3  }
0x92: {  	_ =	strace s18  }
0x93: {  	s3 =	sld [smem:$0x3FFC];
	_ =	sdelay $0x3  }
0x94: {  	_ =	strace s3  }
0x95: {  	s3 =	sld [smem:$0x3FFD];
	_ =	sdelay $0x3  }
0x96: {  	_ =	strace s3  }
0x97: {  	_ =	strace $0x8FFFFFFF  }
0x98: {  	s19 =	sld [smem:$0x3FDB];
	_ =	sdelay $0x1  }
0x99: {  	s4 =	simm.s32 $_scs_section_size  }
0x9a: {  	s5 =	simm.s32 $_size__tile_overlayer_lowered;
	s6 =	simm.s32 $_tile_overlayer_lowered  }
0x9b: {  	s22 =	simm.s32 $0x1BFF;
	s21 =	sshll.u32 s6, $0x1;
	s3 =	sadd.s32 s4, s19  }
0x9c: {  	s7 =	simm.s32 $0x0;
	s20 =	sshll.u32 s5, $0x1;
	s5 =	sadd.s32 s21, s3  }
0x9d: {  	[timem:s7], [sflag:s22] =	dma.local [hbm:s5], s20  }
0x9e: {  	_ =	swait.ge [sflag:s22], s20  }
0x9f: {  	s4 =	ssub.s32 $0x0, s20;
	[sflag:s22] =	ssyncset.done $0x0  }
0xa0: {  	[sflag:s22] =	ssyncadd.s32 s4;
	_ =	sdelay $0x1  }
0xa1: {  	s23 =	simm.s32 $0x1B8B  }
0xa2: {  	_ =	swait.ge [sflag:s23], $0x1  }
0xa3: {  	[sflag:s23] =	ssyncset.done $0x0  }
0xa4: {  	s25 =	simm.s32 $0x1B8E;
	s24 =	sld [smem:$0x3FFE];
	[sflag:s23] =	ssyncadd.s32 $0xFFFFFFFF  }
0xa5: {  	s26 =	simm.s32 $execute0_lowered;
	[smem:$0x3FD2] =	sst s25  }
0xa6: {  	s5 =	sshll.u32 s26, $0x1;
	_ =	strace $0x80000046;
	[dreg:$0x1] =	wrdreg $0xFFFFFFFF  }
0xa7: {  	s28 =	simm.s32 $_size_execute0_lowered;
	s3 =	sadd.s32 s3, s5;
	[dreg:$0x0] =	wrdreg $0x0  }
0xa8: {  	s5 =	sshll.u32 s28, $0x1;
	[dreg:$0x2] =	wrdreg s3  }
0xa9: {  	[dreg:$0x3] =	wrdreg s5  }
0xaa: {  	[dreg:$0x4] =	wrdreg $0xC0  }
0xab: {  	_ =	task [dreg:s7], $0x5FFFF  }
0xac: {  	[dreg:$0x1] =	wrdreg $0xFFFFFFFF  }
0xad: {  	[dreg:$0x0] =	wrdreg $0x60  }
0xae: {  	[dreg:$0x2] =	wrdreg s2  }
0xaf: {  	[dreg:$0x3] =	wrdreg s24  }
0xb0: {  	[dreg:$0x4] =	wrdreg $0x8D800  }
0xb1: {  	[dreg:$0x5] =	wrdreg $0x9  }
0xb2: {  	_ =	task.clear_ibuf [dreg:s7], $0x6FFFF;
	_ =	strace $0x90000046  }
0xb3: {  	s29 =	simm.s32 $0x9;
	_ =	strace $0x80000048  }
0xb4: {  	_ =	swait.ge [sflag:s29], $0x1  }
0xb5: {  	[sflag:s29] =	ssyncadd.s32 $0xFFFFFFFF  }
0xb6: {  	_ =	strace $0x90000048  }
0xb7: {  	_ =	sfence  }
0xb8: {  	s30 =	sld [smem:$0x0];
	_ =	sdelay $0x2  }
0xb9: {  	s31 =	sshll.u32 s1, $0xD;
	s1 =	sshrl.u32 s1, $0x2  }
0xba: {  	s3 =	sand.u32 $0x4000, s31;
	s1 =	sadd.s32 s1, s30  }
0xbb: {  	s0 =	sor.u32 s3, s0;
	s1 =	sshll.u32 s1, $0x11  }
0xbc: {  	s0 =	sor.u32 s1, s0  }
0xbd: {  	s0 =	sadd.s32 $0x8F2B, s0  }
0xbe: {  	[sflag:s0] =	ssyncadd.remote.s32 $0x1  }
0xbf: {  	_ =	sfence.sel $0xFFFF  }
0xc0: {  	[dreg:$0x0] =	wrdreg $0xFFFFFFFF;
	(pc) =	sbr.abs _section_cstart, $3  }
0xc1: {  	[dreg:$0x1] =	wrdreg $0xFFFFFFFF  }
0xc2: {  	_ =	task.clear_ibuf [dreg:s7], $0x2FFFF;
	_ =	strace $0x9FFFFFFF  }
0xc3: {  	(tm) =	ssettm $0x7FFFFFFF  }
tec
execute0_lowered:
.L_overlay_start_1:
0x0: {  	(tag) =	ssettag $0x1  }
0x1: {  	s1 =	rddreg [dreg:$0x0]  }
0x2: {  	s0 =	rddreg [dreg:$0x1]  }
0x3: {  	s2 =	rddreg [dreg:$0x2];
	s3 =	srdreg.scid  }
0x4: {  	s4 =	simm.s32 $0x0;
	s14 =	stileid.u32;
	s15 =	simm.s32 $0x80  }
0x5: {  	s16 =	simm.s32 $0x50;
	s17 =	simm.s32 $0x180;
	s18 =	simm.s32 $0x2980  }
0x6: {  	s19 =	simm.s32 $0x1;
	s20 =	simm.s32 $0x7980;
	s21 =	simm.s32 $0x5180  }
0x7: {  	s22 =	simm.s32 $0x100;
	s23 =	simm.s32 $0x2;
	s24 =	simm.s32 $0x0  }
0x8: {  	s25 =	simm.s32 $0x0;
	s3 =	sand.u32 $0x1, s3;
	[smem:$0x7FF] =	sst s4  }
0x9: {  	s9 =	smul.u32 $0x2800, s14;
	s5 =	sadd.s32 $0xB1800, s0;
	s6 =	sadd.s32 $0xB600, s0  }
0xa: {  	s7 =	sadd.s32 $0x1800, s0;
	s10 =	smul.u32 $0xA000, s14;
	s11 =	sshll.u32 s14, $0x1  }
0xb: {  	p0 =	sgt.u32 s14, $0x3;
	s8 =	smul.u32 $0xA000, s3;
	s30 =	ssub.s32 $0x2, s3  }
0xc: {  	_ =	strace $0x80000047;
	s3 =	sor.u32 s3, s11;
	s12 =	sshrl.u32 s30, $0x1  }
0xd: {  	s10 =	sshrl.u32 s10, $0x2;
	s9 =	sadd.s32 s9, s8;
	s13 =	ssub.s32 s30, s12  }
0xe: {  	s8 =	sadd.s32 $0xDB200, s0;
	s9 =	sshrl.u32 s9, $0x3;
	s31 =	smax.u32 s13, $0x1  }
0xf: {  	s0 =	sadd.s32 s9, s0;
	s9 =	sadd.s32 s10, s2;
	[dreg:$0x6] =	wrdreg s31  }
0x10: {  	v0 =	vimm.f32 $0.0e+00;
	v1 =	vimm.s32 $0x0;
	vm0 =	vcmask $0x3F0C;
	s11 =	smul.u32 $0x14000, s3;
	s0 =	sadd.s32 $0xD8A00, s0;
	[dreg:$0x4] =	wrdreg s9  }
0x11: {  	vm1 =	vcmask $0x3F08;
	vm2 =	vmmov $0x1;
	v2 =	vlaneseq.u32;
	s14 =	simm.s32 $0x3;
	s10 =	smul.u32 $0x2710, s3;
	[dreg:$0x5] =	wrdreg s0  }
.LBB2_1:
0x12: {  	s0 =	simm.s32 $0x0;
	s3 =	simm.s32 $0x200  }
.LBB2_2:
0x13: {  	p1 =	sne.s32 s3, $0x9E00;
	[tilespmem:s0+$0x51F0] =	vst v0  }
0x14: {  	[tilespmem:s0+$0x5180] =	vst v0  }
0x15: {  	[tilespmem:s0+$0x5190] =	vst v0  }
.Ltmp0:
0x16: {  	[tilespmem:s0+$0x51A0] =	vst v0;
	(pc) =	sbr.rel @p1 .LBB2_2-.Ltmp0, $4  }
0x17: {  	[tilespmem:s0+$0x51B0] =	vst v0  }
0x18: {  	[tilespmem:s0+$0x51C0] =	vst v0  }
0x19: {  	[tilespmem:s0+$0x51D0] =	vst v0  }
0x1a: {  	[tilespmem:s0+$0x51E0] =	vst v0;
	s0 =	sshra.s32 s3, $0x2;
	s3 =	sadd.s32 $0x200, s3  }
0x1b: {  	[tilespmem:s0+$0x51F0] =	vst v0  }
0x1c: {  	[tilespmem:s0+$0x5180] =	vst v0  }
0x1d: {  	[tilespmem:s0+$0x5190] =	vst v0  }
0x1e: {  	[tilespmem:s0+$0x51A0] =	vst v0  }
0x1f: {  	[tilespmem:s0+$0x51B0] =	vst v0  }
0x20: {  	[tilespmem:s0+$0x51C0] =	vst v0  }
0x21: {  	[tilespmem:s0+$0x51D0] =	vst v0  }
0x22: {  	[tilespmem:s0+$0x51E0] =	vst v0;
	s0 =	simm.s32 @!p0 $0x5180  }
0x23: {  	[spmem:s9] =	stream.linear.scatter @!p0 [tilespmem:s0], [sflag:$0x2], $0x2800, $0x38;
	[tilespmem:$0x9780] =	vst v63  }
0x24: {  	s0 =	simm.s32 @!p0 $0x2  }
0x25: {  	_ =	swait.ge @!p0 [sflag:s0], $0x2800  }
0x26: {  	[sflag:s0] =	ssyncset.done @!p0 $0x0  }
0x27: {  	[sflag:s0] =	ssyncadd.s32 @!p0 $0xFFFFD800  }
0x28: {  	s26 =	simm.s32 $0x0;
	[bflag:$0x0] =	sbarrier.arrive $0xFFFF  }
.LBB2_4:
0x29: {  	s0 =	smul.u32 $0x50, s26;
	_ =	sdelay $0x1  }
0x2a: {  	s0 =	sadd.s32 s10, s0  }
0x2b: {  	s0 =	sshrl.u32 s0, $0x3  }
0x2c: {  	s3 =	sadd.s32 s6, s0  }
0x2d: {  	[tilespmem:s25], [sflag:$0x3] =	stream.linear.gather [hbm4b:s3+s25], $0x50, $0x38;
	[tilespmem:$0x9780] =	vst v63  }
0x2e: {  	_ =	swait.ge [sflag:s14], $0x50  }
0x2f: {  	[sflag:s14] =	ssyncset.done $0x0  }
0x30: {  	s0 =	sadd.s32 s7, s0;
	[sflag:s14] =	ssyncadd.s32 $0xFFFFFFB0  }
0x31: {  	[tilespmem:s15], [sflag:$0x3] =	stream.linear.gather [hbm4b:s0+s25], $0x50, $0x38;
	[tilespmem:$0x9780] =	vst v63  }
0x32: {  	_ =	swait.ge [sflag:s14], $0x50  }
0x33: {  	[sflag:s14] =	ssyncset.done $0x0  }
0x34: {  	[sflag:s14] =	ssyncadd.s32 $0xFFFFFFB0  }
0x35: {  	[tilespmem:s17], [sflag:$0x1] =	stream.indirect.gather [hbm4b:s1+s16], $0x80, s15, s16, $0xb8;
	[tilespmem:$0x9780] =	vst v63  }
0x36: {  	_ = 	snop  }
0x37: {  	[tilespmem:s18], [sflag:$0x1] =	stream.indirect.gather [hbm4b:s5+s16], $0x80, s25, s16, $0xb8;
	[tilespmem:$0x9780] =	vst v63  }
0x38: {  	_ =	swait.ge [sflag:s19], $0x2800  }
0x39: {  	[sflag:s19] =	ssyncset.done $0x0  }
0x3a: {  	[sflag:s19] =	ssyncadd.s32 $0xFFFFD800  }
0x3b: {  	_ =	swait.ge [sflag:s19], $0x2800  }
0x3c: {  	[sflag:s19] =	ssyncset.done $0x0  }
0x3d: {  	[sflag:s19] =	ssyncadd.s32 $0xFFFFD800  }
0x3e: {  	v3 =	vld [tilespmem:$0x80];
	_ =	sdelay $0x2  }
0x3f: {  	v4 =	vld [tilespmem:$0x90];
	_ =	sdelay $0x1  }
0x40: {  	v5 =	vshra.s32 v3, $0x1F;
	v6 =	vand.u32 $0x1F, v3  }
0x41: {  	vm3 =	vlt.s32 v3, $0x1;
	v5 =	vshrl.u32 v5, $0x1B;
	vm4 =	vne.s32 v6, $0x0;
	v6 =	vld [tilespmem:$0xA0]  }
0x42: {  	v3 =	vadd.s32 v5, v3;
	vm3 =	vmand vm3, vm4  }
0x43: {  	v7 =	vshra.s32 v4, $0x1F;
	v3 =	vshra.s32 v3, $0x5;
	v5 =	vsel vm3, $0xFFFFFFFF, v1  }
0x44: {  	v3 =	vadd.s32 v5, v3;
	v5 =	vshrl.u32 v7, $0x1B;
	v7 =	vand.u32 $0x1F, v4  }
0x45: {  	vm3 =	vlt.s32 v4, $0x1;
	v5 =	vadd.s32 v5, v4;
	vm12 =	vne.s32 v7, $0x0;
	v4 =	vld [tilespmem:$0xB0]  }
0x46: {  	v5 =	vshra.s32 v5, $0x5;
	vm3 =	vmand vm3, vm12;
	v7 =	vshra.s32 v6, $0x1F  }
0x47: {  	v9 =	vand.u32 $0x1F, v6;
	v8 =	vsel vm3, $0xFFFFFFFF, v1;
	v7 =	vshrl.u32 v7, $0x1B  }
0x48: {  	vm3 =	vlt.s32 v6, $0x1;
	vm13 =	vne.s32 v9, $0x0;
	v7 =	vadd.s32 v7, v6;
	v6 =	vld [tilespmem:$0xC0]  }
0x49: {  	v5 =	vadd.s32 v8, v5;
	vm3 =	vmand vm3, vm13;
	v7 =	vshra.s32 v7, $0x5  }
0x4a: {  	v54 =	vsel vm3, $0xFFFFFFFF, v1;
	v55 =	vshra.s32 v4, $0x1F;
	v10 =	vand.u32 $0x1F, v4  }
0x4b: {  	vm3 =	vlt.s32 v4, $0x1;
	v9 =	vshrl.u32 v55, $0x1B;
	vm14 =	vne.s32 v10, $0x0  }
0x4c: {  	v7 =	vadd.s32 v54, v7;
	v4 =	vadd.s32 v9, v4;
	vm3 =	vmand vm3, vm14  }
0x4d: {  	v56 =	vsel vm3, $0xFFFFFFFF, v1;
	v57 =	vshra.s32 v6, $0x1F;
	v58 =	vand.u32 $0x1F, v6  }
0x4e: {  	[tilespmem:$0x100] =	vst v3;
	vm3 =	vlt.s32 v6, $0x1;
	v3 =	vshrl.u32 v57, $0x1B;
	vm15 =	vne.s32 v58, $0x0  }
0x4f: {  	[tilespmem:$0x110] =	vst v5;
	v4 =	vshra.s32 v4, $0x5;
	v3 =	vadd.s32 v3, v6;
	vm3 =	vmand vm3, vm15  }
0x50: {  	[tilespmem:$0x120] =	vst v7;
	v4 =	vadd.s32 v56, v4;
	v3 =	vshra.s32 v3, $0x5;
	v5 =	vsel vm3, $0xFFFFFFFF, v1  }
0x51: {  	[tilespmem:$0x130] =	vst v4;
	v3 =	vadd.s32 v5, v3  }
0x52: {  	s29 =	simm.s32 $0x29C0;
	[tilespmem:$0x140] =	vst v3  }
0x53: {  	s30 =	simm.s32 $0x1C0;
	v3 =	vld [tilespmem:s29+$0x10]  }
0x54: {  	v4 =	vld [tilespmem:s30+$0x10]  }
0x55: {  	v5 =	vld [tilespmem:s29+$0xFFFFFFF0]  }
0x56: {  	v6 =	vld [tilespmem:s29+$0x0]  }
0x57: {  	v7 =	vld [tilespmem:s29+$0x30]  }
0x58: {  	v59 =	vld [tilespmem:s30+$0x30]  }
0x59: {  	v60 =	vld [tilespmem:s29+$0x20]  }
0x5a: {  	v61 =	vld [tilespmem:s30+$0x20]  }
0x5b: {  	v11 =	vld [tilespmem:s30+$0x0]  }
0x5c: {  	v12 =	vld [tilespmem:s30+$0xFFFFFFF0]  }
0x5d: {  	v13 =	vld [tilespmem:s29+$0xFFFFFFE0]  }
0x5e: {  	v14 =	vld [tilespmem:s30+$0xFFFFFFE0]  }
0x5f: {  	v15 =	vld [tilespmem:s30+$0xFFFFFFC0]  }
0x60: {  	v16 =	vld [tilespmem:s29+$0xFFFFFFD0]  }
0x61: {  	v17 =	vld [tilespmem:s30+$0xFFFFFFD0]  }
0x62: {  	v18 =	vld [tilespmem:s29+$0xFFFFFFC0];
	_ =	sdelay $0x1  }
0x63: {  	v7 =	vmul.f32 v7, v59;
	v62 =	vmul.f32 v60, v61  }
0x64: {  	v3 =	vmul.f32 v3, v4;
	v4 =	vmul.f32 v6, v11  }
0x65: {  	v5 =	vmul.f32 v5, v12;
	v6 =	vadd.f32 v7, v62;
	v7 =	vmul.f32 v13, v14  }
0x66: {  	v63 =	vmul.f32 v16, v17;
	v3 =	vadd.f32 v3, v4;
	v4 =	vmul.f32 v18, v15  }
0x67: {  	(xrf2) =	vadd.scan.msk.f32 $0xffff, v6;
	v5 =	vadd.f32 v5, v7  }
0x68: {  	(xrf2) =	vadd.scan.msk.f32 $0xffff, v3;
	v3 =	vadd.f32 v63, v4  }
0x69: {  	(xrf2) =	vadd.scan.msk.f32 $0xffff, v5  }
0x6a: {  	(xrf2) =	vadd.scan.msk.f32 $0xffff, v3;
	_ =	sdelay $0x6  }
0x6b: {  	v3, _, _ =	vpop (xrf2)  }
0x6c: {  	v3 =	vmul.f32 $1.442695020e+00, v3;
	v4, _, _ =	vpop (xrf2)  }
0x6d: {  	v5, _, _ =	vpop (xrf2);
	v4 =	vmul.f32 $1.442695020e+00, v4  }
0x6e: {  	v3 =	vbroadcast v3, $0xF;
	v5 =	vmul.f32 $1.442695020e+00, v5;
	v6, _, _ =	vpop (xrf2)  }
0x6f: {  	v4 =	vbroadcast v4, $0xF;
	v6 =	vmul.f32 $1.442695020e+00, v6  }
0x70: {  	v5 =	vbroadcast v5, $0xF;
	(erf) = vpow2.f32 v3  }
0x71: {  	(erf) = vpow2.f32 v4;
	v3 =	vbroadcast v6, $0xF  }
0x72: {  	(erf) = vpow2.f32 v5  }
0x73: {  	s28 =	sand.u32 $0x7, s26;
	(erf) = vpow2.f32 v3  }
0x74: {  	s31 =	smul.u32 $0x5, s28;
	_ =	sdelay $0x1  }
0x75: {  	s9 =	sand.u32 $0xF, s25;
	s3 =	sadd.s32 $0x0, s31  }
0x76: {  	s12 =	sshll.u32 s9, $0x2;
	s0 =	sshll.u32 s3, $0x7  }
0x77: {  	s0 =	sor.u32 s12, s0  }
0x78: {  	v4 =	vadd.s32 s0, v2;
	v3 =	vpop (erf)  }
0x79: {  	v5 =	vpop (erf)  }
0x7a: {  	v3 =	vsel vm0, v3, v5;
	v5 =	vpop (erf)  }
0x7b: {  	v3 =	vsel vm1, v3, v5;
	v5 =	vpop (erf)  }
0x7c: {  	v3 =	vsel vm2, v5, v3  }
0x7d: {  	s13 =	sand.u32 $0x70, s25;
	[tilespmem:v4+s20+$0x0] =	vst.idx.msk $0xf, v3  }
0x7e: {  	v4 =	vld [tilespmem:s13+$0x80];
	_ =	sdelay $0x3  }
0x7f: {  	v5 =	vmov s9  }
0x80: {  	v4 =	vperm.xlane v4, v5;
	_ =	sdelay $0x1  }
0x81: {  	v4 =	vshll.u32 v4, $0x2  }
0x82: {  	v4 =	vand.u32 $0x7C, v4  }
0x83: {  	v4 =	vadd.s32 v2, v4  }
0x84: {  	s3 =	simm.s32 $0x0;
	s0 =	simm.s32 $0x1;
	v5 =	vand.u32 $0x80, v4;
	v4 =	vand.u32 $0x7F, v4  }
.LBB2_5:
0x85: {  	p1 =	sne.s32 s0, $0x4F;
	v5 =	vadd.s32 s3, v5;
	s30 =	sadd.s32 $0x80, s30;
	s29 =	sadd.s32 $0x80, s29  }
0x86: {  	s3 =	smov.u32 s0;
	s0 =	sadd.s32 $0x1, s0;
	v4 =	vor.u32 v4, v5;
	_ =	sdelay $0x4  }
0x87: {  	[tilespmem:v4+s21+$0x0] =	vst.idx.msk $0xf, v3  }
0x88: {  	v3 =	vld [tilespmem:s29+$0x10]  }
0x89: {  	v4 =	vld [tilespmem:s30+$0x10]  }
0x8a: {  	v5 =	vld [tilespmem:s29+$0xFFFFFFF0]  }
0x8b: {  	v6 =	vld [tilespmem:s29+$0x0]  }
0x8c: {  	v7 =	vld [tilespmem:s29+$0x30]  }
0x8d: {  	v8 =	vld [tilespmem:s30+$0x30]  }
0x8e: {  	v3 =	vmul.f32 v3, v4;
	v4 =	vld [tilespmem:s29+$0x20]  }
0x8f: {  	v9 =	vld [tilespmem:s30+$0x20]  }
0x90: {  	v10 =	vld [tilespmem:s30+$0x0]  }
0x91: {  	v11 =	vld [tilespmem:s30+$0xFFFFFFF0]  }
0x92: {  	v12 =	vld [tilespmem:s29+$0xFFFFFFE0];
	v7 =	vmul.f32 v7, v8  }
0x93: {  	v8 =	vld [tilespmem:s30+$0xFFFFFFE0]  }
0x94: {  	v13 =	vld [tilespmem:s30+$0xFFFFFFC0];
	v4 =	vmul.f32 v4, v9  }
0x95: {  	v9 =	vld [tilespmem:s29+$0xFFFFFFD0];
	v6 =	vmul.f32 v6, v10  }
0x96: {  	v10 =	vld [tilespmem:s30+$0xFFFFFFD0];
	v5 =	vmul.f32 v5, v11;
	v4 =	vadd.f32 v7, v4  }
0x97: {  	v7 =	vld [tilespmem:s29+$0xFFFFFFC0];
	v3 =	vadd.f32 v3, v6  }
0x98: {  	v6 =	vmul.f32 v12, v8;
	(xrf2) =	vadd.scan.msk.f32 $0xffff, v4;
	_ =	sdelay $0x1  }
0x99: {  	v4 =	vadd.f32 v5, v6  }
0x9a: {  	(xrf2) =	vadd.scan.msk.f32 $0xffff, v3  }
0x9b: {  	v5 =	vmul.f32 v9, v10;
	v3 =	vmul.f32 v7, v13;
	_ =	sdelay $0x1  }
0x9c: {  	v3 =	vadd.f32 v5, v3;
	(xrf2) =	vadd.scan.msk.f32 $0xffff, v4;
	_ =	sdelay $0x2  }
0x9d: {  	(xrf2) =	vadd.scan.msk.f32 $0xffff, v3  }
0x9e: {  	v3, _, _ =	vpop (xrf2)  }
0x9f: {  	v3 =	vmul.f32 $1.442695020e+00, v3;
	_ =	sdelay $0x1  }
0xa0: {  	v3 =	vbroadcast v3, $0xF;
	v4, _, _ =	vpop (xrf2);
	_ =	sdelay $0x2  }
0xa1: {  	v5, _, _ =	vpop (xrf2)  }
0xa2: {  	v4 =	vmul.f32 $1.442695020e+00, v4;
	v5 =	vmul.f32 $1.442695020e+00, v5;
	_ =	sdelay $0x1  }
0xa3: {  	v4 =	vbroadcast v4, $0xF;
	v5 =	vbroadcast v5, $0xF;
	v6, _, _ =	vpop (xrf2)  }
0xa4: {  	v6 =	vmul.f32 $1.442695020e+00, v6;
	(erf) = vpow2.f32 v3  }
0xa5: {  	(erf) = vpow2.f32 v4  }
0xa6: {  	v3 =	vbroadcast v6, $0xF;
	(erf) = vpow2.f32 v5;
	_ =	sdelay $0x1  }
0xa7: {  	(erf) = vpow2.f32 v3  }
0xa8: {  	s12 =	sshrl.u32 s3, $0x4  }
0xa9: {  	s13 =	sand.u32 $0xF, s3;
	s12 =	sadd.s32 s31, s12  }
0xaa: {  	s9 =	sshll.u32 s13, $0x2;
	s12 =	sshll.u32 s12, $0x7  }
0xab: {  	s9 =	sor.u32 s9, s12  }
0xac: {  	v4 =	vadd.s32 s9, v2;
	v3 =	vpop (erf)  }
0xad: {  	v5 =	vpop (erf)  }
0xae: {  	v3 =	vsel vm0, v3, v5;
	v5 =	vpop (erf)  }
0xaf: {  	v3 =	vsel vm1, v3, v5  }
0xb0: {  	v5 =	vpop (erf)  }
0xb1: {  	s9 =	sand.u32 $0x70, s3;
	v3 =	vsel vm2, v5, v3  }
0xb2: {  	[tilespmem:v4+s20+$0x0] =	vst.idx.msk $0xf, v3  }
0xb3: {  	v4 =	vld [tilespmem:s9+$0x80];
	_ =	sdelay $0x2  }
0xb4: {  	v5 =	vmov s13;
	_ =	sdelay $0x1  }
0xb5: {  	v4 =	vperm.xlane v4, v5  }
.Ltmp1:
0xb6: {  	(pc) =	sbr.rel @p1 .LBB2_5-.Ltmp1, $4  }
0xb7: {  	v4 =	vshll.u32 v4, $0x2  }
0xb8: {  	v4 =	vand.u32 $0x7C, v4  }
0xb9: {  	s3 =	sshll.u32 s3, $0x7;
	v4 =	vadd.s32 v2, v4  }
0xba: {  	v5 =	vand.u32 $0x80, v4;
	v4 =	vand.u32 $0x7F, v4  }
0xbb: {  	v5 =	vadd.s32 s3, v5  }
0xbc: {  	v4 =	vor.u32 v4, v5;
	_ =	sdelay $0x4  }
0xbd: {  	[tilespmem:v4+s21+$0x0] =	vst.idx.msk $0xf, v3  }
0xbe: {  	[spmem:s2] =	stream.indirect.scatter.add.f32 [tilespmem:s21], [sflag:$0x3], $0x80, s22, s16, $0xb8;
	[tilespmem:$0x9780] =	vst v63  }
0xbf: {  	_ =	swait.ge [sflag:s14], $0x2800  }
0xc0: {  	s0 =	simm.s32 $0x0;
	[sflag:s14] =	ssyncset.done $0x0  }
0xc1: {  	s3 =	simm.s32 $0x1;
	s29 =	sand.u32 $0x70, s0;
	[sflag:s14] =	ssyncadd.s32 $0xFFFFD800  }
.LBB2_7:
0xc2: {  	p1 =	sne.s32 s3, $0x4F;
	v3 =	vld [tilespmem:s29+$0x80];
	_ =	sdelay $0x3  }
0xc3: {  	v4 =	vmov s0  }
0xc4: {  	v3 =	vperm.xlane v3, v4;
	_ =	sdelay $0x1  }
0xc5: {  	v3 =	vshll.u32 v3, $0x2  }
0xc6: {  	v3 =	vand.u32 $0x7C, v3  }
0xc7: {  	v3 =	vadd.s32 v2, v3  }
0xc8: {  	s9 =	sshll.u32 s0, $0x7;
	s0 =	smov.u32 s3;
	v4 =	vand.u32 $0x80, v3  }
0xc9: {  	v3 =	vand.u32 $0x7F, v3;
	v4 =	vadd.s32 s9, v4  }
0xca: {  	v3 =	vor.u32 v3, v4  }
.Ltmp2:
0xcb: {  	(pc) =	sbr.rel @p1 .LBB2_7-.Ltmp2, $2  }
0xcc: {  	_ =	sdelay $0x2  }
0xcd: {  	s3 =	sadd.s32 $0x1, s3;
	s29 =	sand.u32 $0x70, s0;
	[tilespmem:v3+s21+$0x0] =	vst.idx.msk $0xf, v0  }
0xce: {  	v3 =	vld [tilespmem:s29+$0x80];
	_ =	sdelay $0x3  }
0xcf: {  	v4 =	vmov s0  }
0xd0: {  	v3 =	vperm.xlane v3, v4;
	_ =	sdelay $0x1  }
0xd1: {  	v3 =	vshll.u32 v3, $0x2  }
0xd2: {  	v3 =	vand.u32 $0x7C, v3  }
0xd3: {  	p1 =	seq.s32 s26, $0x7C;
	v3 =	vadd.s32 v2, v3  }
0xd4: {  	s31 =	sshll.u32 s0, $0x7;
	p2 =	sne.s32 @!p1 s28, $0x7;
	v63 =	vand.u32 $0x80, v3  }
0xd5: {  	p1 =	por p1, !p2;
	v3 =	vand.u32 $0x7F, v3;
	v4 =	vadd.s32 s31, v63  }
0xd6: {  	s0 =	sshrl.u32 @p1 s26, $0x3;
	v3 =	vor.u32 v3, v4  }
0xd7: {  	s0 =	smul.u32 @p1 $0x1400, s0;
	_ =	sdelay $0x1  }
0xd8: {  	s0 =	sadd.s32 @p1 s11, s0  }
0xd9: {  	s0 =	sshrl.u32 @p1 s0, $0x3  }
0xda: {  	s0 =	sadd.s32 @p1 s8, s0;
	[tilespmem:v3+s21+$0x0] =	vst.idx.msk $0xf, v0  }
0xdb: {  	[hbm4b:s0+s4] =	stream.linear.scatter @p1 [tilespmem:s20], [sflag:$0x2], $0x1400, $0x38;
	[tilespmem:$0x9780] =	vst v63  }
0xdc: {  	_ =	swait.ge @p1 [sflag:s23], $0x1400  }
0xdd: {  	s26 =	sadd.s32 $0x1, s26;
	[sflag:s23] =	ssyncset.done @p1 $0x0  }
0xde: {  	[sflag:s23] =	ssyncadd.s32 @p1 $0xFFFFEC00;
	p1 =	sne.s32 s26, $0x7D  }
.Ltmp3:
0xdf: {  	_ = 	snop;
	(pc) =	sbr.rel @p1 .LBB2_4-.Ltmp3, $1  }
0xe0: {  	_ =	sdelay $0x3  }
0xe1: {  	s0 =	stileid.u32;
	[bflag:$0x0] =	sbarrier.arrive $0xFFFF  }
0xe2: {  	s0 =	sshll.u32 @!p0 s0, $0x6;
	s9 =	rddreg [dreg:$0x4]  }
0xe3: {  	s12 =	rddreg [dreg:$0x5];
	s0 =	sor.u32 @!p0 $0x1C02, s0;
	s3 =	sshrl.u32 @!p0 s9, $0x3  }
0xe4: {  	[hbm:s12], [sflag:s0] =	dma.local @!p0 [spmem:s3], $0x500  }
0xe5: {  	s0 =	simm.s32 @!p0 $0x2  }
0xe6: {  	_ =	swait.ge @!p0 [sflag:s0], $0x500  }
0xe7: {  	s24 =	sadd.s32 $0x1, s24;
	s31 =	rddreg [dreg:$0x6]  }
0xe8: {  	p1 =	sne.s32 s24, s31  }
.Ltmp4:
0xe9: {  	_ = 	snop;
	(pc) =	sbr.rel @p1 .LBB2_1-.Ltmp4, $3  }
0xea: {  	_ =	sdelay $0x1  }
0xeb: {  	[sflag:s0] =	ssyncset.done @!p0 $0x0  }
0xec: {  	[sflag:s0] =	ssyncadd.s32 @!p0 $0xFFFFFB00  }
0xed: {  	_ =	sfence.sel $0x180000  }
0xee: {  	[bflag:$0x0] =	sbarrier.arrive $0xFFFF  }
0xef: {  	_ =	strace $0x90000047  }
0xf0: {  	s0 =	stileid.u32;
	[bflag:$0x2] =	sbarrier.arrive $0xFFFF  }
0xf1: {  	p0 =	sne.s32 s0, $0x0;
	s0 =	rddreg [dreg:$0x3]  }
0xf2: {  	s0 =	sadd.s32 @!p0 $0x100000, s0  }
0xf3: {  	[sflag:s0] =	ssyncadd.tile.s32 @!p0 $0x1;
	_ =	shalt  }
.Lfunc_end2:
_tile_overlayer_lowered:
.L_overlay_start_2:
0xf4: {  	(tag) =	ssettag $0x2  }
0xf5: {  	s0 =	rddreg [dreg:$0x0];
	s2 =	stileid.u32  }
0xf6: {  	s1 =	rddreg [dreg:$0x1];
	p0 =	sne.s32 s2, $0x0  }
0xf7: {  	s3 =	rddreg [dreg:$0x2];
	[bflag:$0x3] =	sbarrier.arrive $0xFFFF;
	s2 =	simm.s32 @!p0 $0x1C02  }
0xf8: {  	[timem:s3], [sflag:s2] =	dma.local @!p0 [hbm:s0], s1  }
0xf9: {  	s0 =	simm.s32 @!p0 $0x2  }
0xfa: {  	_ =	swait.ge @!p0 [sflag:s0], s1  }
0xfb: {  	s1 =	ssub.s32 @!p0 $0x0, s1;
	[sflag:s0] =	ssyncset.done @!p0 $0x0  }
0xfc: {  	[sflag:s0] =	ssyncadd.s32 @!p0 s1  }
0xfd: {  	[bflag:$0x3] =	sbarrier.arrive $0xFFFF  }
0xfe: {  	_ =	shalt  }

// kernel: kernel.8.cloned.1.call-start
scs
__scs_entry_jumppad:
0x0: {  	(pc) =	sbr.rel $0x88, $3  }
0x1: {  	(tag) =	ssettag $0x0;
	lr =	simm.s32 $0x1  }
0x2: {  	[smem:$0x3F9A] =	sst lr;
	_ =	strace $0xD0000000  }
0x3: {  	_ = 	snop  }
0x4: {  	_ = 	snop  }
0x5: {  	_ = 	snop  }
0x6: {  	_ = 	snop  }
0x7: {  	_ = 	snop  }
__scs_overlays_trampoline_lowered:
0x8: {  	[smem:$0x3FA9] =	sst s0  }
0x9: {  	[smem:$0x3FAA] =	sst s1  }
0xa: {  	[smem:$0x3FAB] =	sst s2  }
0xb: {  	[smem:$0x3FAC] =	sst s3  }
0xc: {  	[smem:$0x3FAD] =	sst s4  }
0xd: {  	[smem:$0x3FAE] =	sst s5  }
0xe: {  	[smem:$0x3FAF] =	sst s6  }
0xf: {  	[smem:$0x3FB0] =	sst s7  }
0x10: {  	[smem:$0x3FB1] =	sst s8  }
0x11: {  	[smem:$0x3FB2] =	sst s9;
	s0 =	simm.s32 @!p0 $0x0  }
0x12: {  	s1 =	sld [smem:$0x3F98];
	s0 =	simm.s32 @p0 $0x1  }
0x13: {  	[smem:$0x3FB3] =	sst s0;
	s0 =	simm.s32 @!p1 $0x0  }
0x14: {  	s2 =	sld [smem:$0x3F97];
	s0 =	simm.s32 @p1 $0x1  }
0x15: {  	[smem:$0x3FB4] =	sst s0;
	s0 =	simm.s32 @!p2 $0x0  }
0x16: {  	s3 =	sld [smem:$0x3FDB];
	s0 =	simm.s32 @p2 $0x1  }
0x17: {  	s4 =	simm.s32 $0x1BF5;
	[smem:$0x3FB6] =	sst s0  }
0x18: {  	s0 =	sld [smem:$0x3F99];
	_ =	swait.ge [sflag:s4], $0x0  }
0x19: {  	s7 =	sld [smem:$0x3F9A]  }
0x1a: {  	s8 =	sadd.s32 $0xFFFFE003, lr  }
0x1b: {  	s9 =	sadd.s32 $0xFFFFFEF7, lr;
	s5 =	simm.s32 $0xFFFFFFFF;
	p2 =	slt.u32 s8, $0xFFFFF086  }
0x1c: {  	p1 =	slt.u32 s9, $0xF7A;
	s5 =	simm.s32 @!p2 $0x0  }
0x1d: {  	s5 =	simm.s32 @p1 $0x1;
	p0 =	seq.s32 s7, s2  }
0x1e: {  	s7 =	smul.u32 @!p0 $0xF7A, s2;
	p2 =	seq.s32 @!p0 s5, $0x0  }
0x1f: {  	s9 =	smul.u32 $0xF7A, s1;
	s8 =	simm.s32 @!p0 $0x1BF5;
	p2 =	por !p2, p0  }
0x20: {  	[sflag:s8] =	ssyncset.s32 @!p0 $0xFFFFF086;
	s6 =	sadd.s32 @!p0 s3, s7;
	s7 =	simm.s32 @!p0 $0x108  }
0x21: {  	s3 =	sadd.s32 s3, s9;
	s6 =	sadd.s32 @!p0 $0x88, s6;
	s7 =	simm.s32 @p2 $0x1082  }
0x22: {  	[simem:s7], [sflag:s8] =	dma.local @!p0 [hbm:s6], $0xF7A  }
0x23: {  	s9 =	sor.u32 $0xD0000000, s2;
	s6 =	simm.s32 $0x108;
	_ =	swait.ge @!p0 [sflag:s8], $0x0  }
0x24: {  	s3 =	sadd.s32 $0x88, s3;
	s6 =	simm.s32 @!p1 $0x1082;
	[sflag:s4] =	ssyncset.s32 $0xFFFFF086  }
0x25: {  	[simem:s6], [sflag:s4] =	dma.local [hbm:s3], $0xF7A  }
0x26: {  	[smem:$0x3F9A] =	sst s1;
	(tag) =	ssettag s2;
	_ =	strace s9  }
0x27: {  	s1 =	sld [smem:$0x3FAA]  }
0x28: {  	s2 =	sld [smem:$0x3FAB]  }
0x29: {  	s4 =	sld [smem:$0x3FAD]  }
0x2a: {  	p0 =	seq.s32 s5, $0x0;
	s5 =	sld [smem:$0x3FAE]  }
0x2b: {  	s6 =	sld [smem:$0x3FAF]  }
0x2c: {  	s7 =	sld [smem:$0x3FB0]  }
0x2d: {  	s3 =	simm.s32 $0x108;
	s8 =	sld [smem:$0x3FB1]  }
0x2e: {  	s3 =	simm.s32 @!p0 $0x1082;
	s9 =	sld [smem:$0x3FB2]  }
0x2f: {  	lr =	sadd.s32 s0, s3;
	s0 =	sld [smem:$0x3FA9]  }
0x30: {  	s3 =	sld [smem:$0x3FAC]  }
0x31: {  	[smem:$0x3FB5] =	sst s10  }
0x32: {  	s10 =	sld [smem:$0x3FB3];
	_ =	sdelay $0x3  }
0x33: {  	p0 =	seq.s32 s10, $0x1;
	s10 =	sld [smem:$0x3FB5];
	_ =	sdelay $0x3  }
0x34: {  	[smem:$0x3FB5] =	sst s10  }
0x35: {  	s10 =	sld [smem:$0x3FB4];
	_ =	sdelay $0x3  }
0x36: {  	p1 =	seq.s32 s10, $0x1;
	s10 =	sld [smem:$0x3FB5];
	_ =	sdelay $0x3  }
0x37: {  	[smem:$0x3FB5] =	sst s10  }
0x38: {  	s10 =	sld [smem:$0x3FB6]  }
0x39: {  	_ = 	snop;
	(pc) =	sbr.ind lr, $3  }
0x3a: {  	_ = 	snop  }
0x3b: {  	_ = 	snop  }
0x3c: {  	p2 =	seq.s32 s10, $0x1;
	s10 =	sld [smem:$0x3FB5]  }
0x3d: {  	_ =	shalt  }
0x3e: {  	_ =	shalt  }
0x3f: {  	_ =	shalt  }
0x40: {  	_ =	shalt  }
0x41: {  	_ =	shalt  }
0x42: {  	_ =	shalt  }
0x43: {  	_ =	shalt  }
0x44: {  	_ =	shalt  }
0x45: {  	_ =	shalt  }
0x46: {  	_ =	shalt  }
0x47: {  	_ =	shalt  }
0x48: {  	_ =	shalt  }
0x49: {  	_ =	shalt  }
0x4a: {  	_ =	shalt  }
0x4b: {  	_ =	shalt  }
0x4c: {  	_ =	shalt  }
0x4d: {  	_ =	shalt  }
0x4e: {  	_ =	shalt  }
0x4f: {  	_ =	shalt  }
0x50: {  	_ =	shalt  }
0x51: {  	_ =	shalt  }
0x52: {  	_ =	shalt  }
0x53: {  	_ =	shalt  }
0x54: {  	_ =	shalt  }
0x55: {  	_ =	shalt  }
0x56: {  	_ =	shalt  }
0x57: {  	_ =	shalt  }
0x58: {  	_ =	shalt  }
0x59: {  	_ =	shalt  }
0x5a: {  	_ =	shalt  }
0x5b: {  	_ =	shalt  }
0x5c: {  	_ =	shalt  }
0x5d: {  	_ =	shalt  }
0x5e: {  	_ =	shalt  }
0x5f: {  	_ =	shalt  }
0x60: {  	_ =	shalt  }
0x61: {  	_ =	shalt  }
0x62: {  	_ =	shalt  }
0x63: {  	_ =	shalt  }
0x64: {  	_ =	shalt  }
0x65: {  	_ =	shalt  }
0x66: {  	_ =	shalt  }
0x67: {  	_ =	shalt  }
0x68: {  	_ =	shalt  }
0x69: {  	_ =	shalt  }
0x6a: {  	_ =	shalt  }
0x6b: {  	_ =	shalt  }
0x6c: {  	_ =	shalt  }
0x6d: {  	_ =	shalt  }
0x6e: {  	_ =	shalt  }
0x6f: {  	_ =	shalt  }
0x70: {  	_ =	shalt  }
0x71: {  	_ =	shalt  }
0x72: {  	_ =	shalt  }
0x73: {  	_ =	shalt  }
0x74: {  	_ =	shalt  }
0x75: {  	_ =	shalt  }
0x76: {  	_ =	shalt  }
0x77: {  	_ =	shalt  }
0x78: {  	_ =	shalt  }
0x79: {  	_ =	shalt  }
0x7a: {  	_ =	shalt  }
0x7b: {  	_ =	shalt  }
0x7c: {  	_ =	shalt  }
0x7d: {  	_ =	shalt  }
0x7e: {  	_ =	shalt  }
0x7f: {  	_ =	shalt  }
0x80: {  	_ =	shalt  }
0x81: {  	_ =	shalt  }
0x82: {  	_ =	shalt  }
0x83: {  	_ =	shalt  }
0x84: {  	_ =	shalt  }
0x85: {  	_ =	shalt  }
0x86: {  	_ =	shalt  }
0x87: {  	_ =	shalt  }
.Lfunc_end0:
.L_simem_size_0:
called_computation.1_lowered:
.L_overlay_start_0:
0x88: {  	s2 =	sld [smem:$0x3FD9]  }
0x89: {  	s3 =	sld [smem:$0x3FFE];
	_ =	sdelay $0x1  }
0x8a: {  	s1 =	srdreg.scid  }
0x8b: {  	s0 =	sand.u32 $0x1, s1  }
0x8c: {  	s16 =	sshll.u32 s0, $0xA;
	s2 =	sadd.s32 s3, s2  }
0x8d: {  	s2 =	sadd.s32 s2, s16  }
0x8e: {  	[smem:$0x3FC1] =	sst s2  }
0x8f: {  	_ = 	snop  }
0x90: {  	(tm) =	ssettm $0x1  }
0x91: {  	s17 =	sld [smem:$0x3FFB];
	_ =	sdelay $0x3  }
0x92: {  	_ =	strace s17  }
0x93: {  	s2 =	sld [smem:$0x3FFC];
	_ =	sdelay $0x3  }
0x94: {  	_ =	strace s2  }
0x95: {  	s2 =	sld [smem:$0x3FFD];
	_ =	sdelay $0x3  }
0x96: {  	_ =	strace s2  }
0x97: {  	_ =	strace $0x8FFFFFFF  }
0x98: {  	s18 =	sld [smem:$0x3FDB];
	_ =	sdelay $0x1  }
0x99: {  	s19 =	simm.s32 $_scs_section_size  }
0x9a: {  	s4 =	simm.s32 $_size__tile_overlayer_lowered;
	s5 =	simm.s32 $_tile_overlayer_lowered  }
0x9b: {  	s22 =	simm.s32 $0x1BFF;
	s21 =	sshll.u32 s5, $0x1;
	s2 =	sadd.s32 s19, s18  }
0x9c: {  	s6 =	simm.s32 $0x0;
	s20 =	sshll.u32 s4, $0x1;
	s4 =	sadd.s32 s21, s2  }
0x9d: {  	[timem:s6], [sflag:s22] =	dma.local [hbm:s4], s20  }
0x9e: {  	_ =	swait.ge [sflag:s22], s20  }
0x9f: {  	s3 =	ssub.s32 $0x0, s20;
	[sflag:s22] =	ssyncset.done $0x0  }
0xa0: {  	[sflag:s22] =	ssyncadd.s32 s3;
	_ =	sdelay $0x1  }
0xa1: {  	s23 =	simm.s32 $0x1B8B  }
0xa2: {  	_ =	swait.ge [sflag:s23], $0x1  }
0xa3: {  	[sflag:s23] =	ssyncset.done $0x0  }
0xa4: {  	s25 =	simm.s32 $0x1B8E;
	s24 =	sld [smem:$0x3FFE];
	[sflag:s23] =	ssyncadd.s32 $0xFFFFFFFF  }
0xa5: {  	s26 =	simm.s32 $execute0_lowered;
	[smem:$0x3FD2] =	sst s25  }
0xa6: {  	s4 =	sshll.u32 s26, $0x1;
	_ =	strace $0x80000049;
	[dreg:$0x1] =	wrdreg $0xFFFFFFFF  }
0xa7: {  	s28 =	simm.s32 $_size_execute0_lowered;
	s2 =	sadd.s32 s2, s4;
	[dreg:$0x0] =	wrdreg $0x0  }
0xa8: {  	s4 =	sshll.u32 s28, $0x1;
	[dreg:$0x2] =	wrdreg s2  }
0xa9: {  	[dreg:$0x3] =	wrdreg s4  }
0xaa: {  	[dreg:$0x4] =	wrdreg $0xC0  }
0xab: {  	_ =	task [dreg:s6], $0x5FFFF  }
0xac: {  	[dreg:$0x1] =	wrdreg $0xFFFFFFFF  }
0xad: {  	[dreg:$0x0] =	wrdreg $0x60  }
0xae: {  	[dreg:$0x2] =	wrdreg s24  }
0xaf: {  	[dreg:$0x3] =	wrdreg $0x45000  }
0xb0: {  	[dreg:$0x4] =	wrdreg $0x9  }
0xb1: {  	_ =	task.clear_ibuf [dreg:s6], $0x5FFFF;
	_ =	strace $0x90000049  }
0xb2: {  	s29 =	simm.s32 $0x9;
	_ =	strace $0x8000004B  }
0xb3: {  	_ =	swait.ge [sflag:s29], $0x1  }
0xb4: {  	[sflag:s29] =	ssyncadd.s32 $0xFFFFFFFF  }
0xb5: {  	_ =	strace $0x9000004B  }
0xb6: {  	_ =	sfence  }
0xb7: {  	s30 =	sld [smem:$0x0];
	_ =	sdelay $0x2  }
0xb8: {  	s31 =	sshll.u32 s1, $0xD;
	s1 =	sshrl.u32 s1, $0x2  }
0xb9: {  	s3 =	sand.u32 $0x4000, s31;
	s1 =	sadd.s32 s1, s30  }
0xba: {  	s0 =	sor.u32 s3, s0;
	s1 =	sshll.u32 s1, $0x11  }
0xbb: {  	s0 =	sor.u32 s1, s0  }
0xbc: {  	s0 =	sadd.s32 $0x8F2B, s0  }
0xbd: {  	[sflag:s0] =	ssyncadd.remote.s32 $0x1  }
0xbe: {  	_ =	sfence.sel $0xFFFF  }
0xbf: {  	[dreg:$0x0] =	wrdreg $0xFFFFFFFF;
	(pc) =	sbr.abs _section_cstart, $3  }
0xc0: {  	[dreg:$0x1] =	wrdreg $0xFFFFFFFF  }
0xc1: {  	_ =	task.clear_ibuf [dreg:s6], $0x2FFFF;
	_ =	strace $0x9FFFFFFF  }
0xc2: {  	(tm) =	ssettm $0x7FFFFFFF  }
0xc3: {  	_ =	shalt  }
tec
execute0_lowered:
.L_overlay_start_1:
0x0: {  	(tag) =	ssettag $0x1  }
0x1: {  	s9 =	rddreg [dreg:$0x0]  }
0x2: {  	s1 =	rddreg [dreg:$0x1]  }
0x3: {  	s2 =	srdreg.scid;
	s3 =	simm.s32 $0x0;
	s16 =	simm.s32 $0x80  }
0x4: {  	s17 =	simm.s32 $0x10;
	s18 =	simm.s32 $0x100;
	s19 =	simm.s32 $0x2100  }
0x5: {  	s20 =	simm.s32 $0x1;
	s21 =	simm.s32 $0x3100;
	s10 =	sand.u32 $0x1, s2  }
0x6: {  	s2 =	stileid.u32;
	[smem:$0x7FF] =	sst s3;
	s4 =	sadd.s32 $0x15400, s9  }
0x7: {  	s5 =	sadd.s32 $0xB1800, s9;
	s6 =	sadd.s32 $0xB600, s9;
	s7 =	smul.u32 $0x140000, s10  }
0x8: {  	s8 =	smul.u32 $0x14000, s2;
	_ =	strace $0x8000004A;
	s12 =	ssub.s32 $0x2, s10  }
0x9: {  	s13 =	sshll.u32 s2, $0x1;
	s14 =	smul.u32 $0x50000, s2;
	s28 =	sshrl.u32 s12, $0x1  }
0xa: {  	s29 =	sor.u32 s10, s13;
	s11 =	sadd.s32 s8, s7;
	s7 =	sadd.s32 $0x1800, s9  }
0xb: {  	s8 =	sadd.s32 $0xDB200, s9;
	s30 =	ssub.s32 s12, s28;
	s31 =	sshrl.u32 s14, $0x2  }
0xc: {  	v0 =	vlaneseq.u32;
	v1 =	vimm.f32 $0.0e+00;
	s14 =	simm.s32 $0x2900;
	s11 =	sshrl.u32 s11, $0x3;
	s10 =	sadd.s32 s31, s1  }
0xd: {  	v3 =	vimm.s32 $0x0;
	v4 =	vimm.s32 $0x1;
	v0 =	vand.u32 $0x3, v0;
	s13 =	smax.u32 s30, $0x1;
	s15 =	sadd.s32 s11, s9;
	s9 =	smul.u32 $0x14000, s29  }
0xe: {  	v5 =	vimm.s32 $0x2;
	v6 =	vimm.s32 $0x3;
	v2 =	vmul.u32 $0x20, v0;
	s11 =	smul.u32 $0x2710, s29;
	s12 =	sadd.s32 $0x12B200, s15;
	s15 =	simm.s32 $0x2  }
.LBB2_1:
0xf: {  	s22 =	simm.s32 $0x0;
	s23 =	simm.s32 $0x200  }
.LBB2_2:
0x10: {  	p0 =	sne.s32 s23, $0x1E00;
	[tilespmem:s22+$0x2970] =	vst v1  }
0x11: {  	[tilespmem:s22+$0x2900] =	vst v1  }
0x12: {  	[tilespmem:s22+$0x2910] =	vst v1  }
.Ltmp0:
0x13: {  	[tilespmem:s22+$0x2920] =	vst v1;
	(pc) =	sbr.rel @p0 .LBB2_2-.Ltmp0, $4  }
0x14: {  	[tilespmem:s22+$0x2930] =	vst v1  }
0x15: {  	[tilespmem:s22+$0x2940] =	vst v1  }
0x16: {  	[tilespmem:s22+$0x2950] =	vst v1  }
0x17: {  	[tilespmem:s22+$0x2960] =	vst v1;
	s22 =	sshra.s32 s23, $0x2;
	s23 =	sadd.s32 $0x200, s23  }
0x18: {  	[tilespmem:s22+$0x2970] =	vst v1  }
0x19: {  	[tilespmem:s22+$0x2900] =	vst v1  }
0x1a: {  	[tilespmem:s22+$0x2910] =	vst v1  }
0x1b: {  	[tilespmem:s22+$0x2920] =	vst v1  }
0x1c: {  	[tilespmem:s22+$0x2930] =	vst v1  }
0x1d: {  	[tilespmem:s22+$0x2940] =	vst v1  }
0x1e: {  	[tilespmem:s22+$0x2950] =	vst v1  }
0x1f: {  	[tilespmem:s22+$0x2960] =	vst v1;
	s31 =	sadd.s32 $0x0, s10  }
0x20: {  	[spmem:s31] =	stream.linear.scatter [tilespmem:s14], [sflag:$0x2], $0x800, $0x38;
	[tilespmem:$0x18500] =	vst v63  }
0x21: {  	s22 =	simm.s32 $0x2000;
	_ =	swait.ge [sflag:s15], $0x800  }
.LBB2_4:
0x22: {  	s23 =	sshra.s32 s22, $0x2;
	[sflag:s15] =	ssyncset.done $0x0;
	p0 =	sne.s32 s22, $0x4E000  }
.Ltmp1:
0x23: {  	s23 =	sadd.s32 s23, s10;
	[sflag:s15] =	ssyncadd.s32 $0xFFFFF800;
	(pc) =	sbr.rel @p0 .LBB2_4-.Ltmp1, $3  }
0x24: {  	[spmem:s23] =	stream.linear.scatter [tilespmem:s14], [sflag:$0x2], $0x800, $0x38;
	[tilespmem:$0x18500] =	vst v63  }
0x25: {  	s22 =	sadd.s32 $0x2000, s22;
	_ =	sdelay $0x1  }
0x26: {  	_ =	swait.ge [sflag:s15], $0x800  }
0x27: {  	[sflag:s15] =	ssyncset.done $0x0  }
0x28: {  	[sflag:s15] =	ssyncadd.s32 $0xFFFFF800  }
0x29: {  	s22 =	simm.s32 $0x0;
	s23 =	simm.s32 $0x0;
	[bflag:$0x0] =	sbarrier.arrive $0xFFFF  }
.LBB2_6:
0x2a: {  	s24 =	smul.u32 $0xCCCD, s23;
	_ =	sdelay $0x1  }
0x2b: {  	s24 =	sshrl.u32 s24, $0x15  }
0x2c: {  	s24 =	smul.u32 $0x28, s24;
	_ =	sdelay $0x1  }
0x2d: {  	s24 =	ssub.s32 s23, s24  }
0x2e: {  	s24 =	sand.u32 $0xFFFF, s24  }
0x2f: {  	p0 =	sne.s32 s24, $0x0  }
0x30: {  	s25 =	smul.u32 @!p0 $0xCCCD, s23;
	_ =	sdelay $0x1  }
0x31: {  	s25 =	sshrl.u32 @!p0 s25, $0x15  }
0x32: {  	s25 =	smul.u32 @!p0 $0x1400, s25;
	_ =	sdelay $0x1  }
0x33: {  	s25 =	sadd.s32 @!p0 s9, s25  }
0x34: {  	s25 =	sshrl.u32 @!p0 s25, $0x3  }
0x35: {  	s26 =	simm.s32 @!p0 $0x0;
	s28 =	simm.s32 @!p0 $0x3100;
	s25 =	sadd.s32 @!p0 s8, s25  }
0x36: {  	[tilespmem:s28], [sflag:$0x2] =	stream.linear.gather @!p0 [hbm4b:s25+s26], $0x1400, $0x38;
	[tilespmem:$0x18500] =	vst v63  }
0x37: {  	s0 =	sshll.u32 s23, $0x4;
	s25 =	simm.s32 @!p0 $0x2  }
0x38: {  	s26 =	sadd.s32 s11, s0;
	_ =	swait.ge @!p0 [sflag:s25], $0x1400  }
0x39: {  	s26 =	sshrl.u32 s26, $0x3;
	[sflag:s25] =	ssyncset.done @!p0 $0x0  }
0x3a: {  	s31 =	sadd.s32 s6, s26;
	[sflag:s25] =	ssyncadd.s32 @!p0 $0xFFFFEC00  }
0x3b: {  	[tilespmem:s22], [sflag:$0x2] =	stream.linear.gather [hbm4b:s31+s22], $0x10, $0x38;
	[tilespmem:$0x18500] =	vst v63  }
0x3c: {  	_ =	swait.ge [sflag:s15], $0x10  }
0x3d: {  	[sflag:s15] =	ssyncset.done $0x0  }
0x3e: {  	s0 =	sadd.s32 s7, s26;
	[sflag:s15] =	ssyncadd.s32 $0xFFFFFFF0  }
0x3f: {  	[tilespmem:s16], [sflag:$0x2] =	stream.linear.gather [hbm4b:s0+s22], $0x10, $0x38;
	[tilespmem:$0x18500] =	vst v63  }
0x40: {  	_ =	swait.ge [sflag:s15], $0x10  }
0x41: {  	[sflag:s15] =	ssyncset.done $0x0  }
0x42: {  	[sflag:s15] =	ssyncadd.s32 $0xFFFFFFF0  }
0x43: {  	[tilespmem:s18], [sflag:$0x1] =	stream.indirect.gather [hbm4b:s4+s17], $0x200, s22, s17, $0xb8;
	[tilespmem:$0x18500] =	vst v63  }
0x44: {  	s24 =	sshll.u32 s24, $0x7  }
0x45: {  	[tilespmem:s19], [sflag:$0x1] =	stream.indirect.gather [hbm4b:s5+s17], $0x80, s16, s17, $0xb8;
	[tilespmem:$0x18500] =	vst v63  }
0x46: {  	s26 =	sor.u32 s24, s22;
	_ =	swait.ge [sflag:s20], $0x2000  }
0x47: {  	v7 =	vor.u32 s26, v0;
	s31 =	simm.s32 $0x0;
	[sflag:s20] =	ssyncset.done $0x0  }
0x48: {  	v8 =	vor.u32 s31, v2;
	[sflag:s20] =	ssyncadd.s32 $0xFFFFE000  }
0x49: {  	_ =	swait.ge [sflag:s20], $0x800  }
0x4a: {  	[sflag:s20] =	ssyncset.done $0x0  }
0x4b: {  	[sflag:s20] =	ssyncadd.s32 $0xFFFFF800  }
0x4c: {  	v7 =	vld.idx.msk [tilespmem:v7+s21+$0x0], $0xffff  }
0x4d: {  	v8 =	vld.idx.msk [tilespmem:v8+s19+$0x0], $0xffff;
	_ =	sdelay $0x1  }
0x4e: {  	s25 =	simm.s32 $0x200  }
0x4f: {  	v11 =	vld [tilespmem:s25+$0xFFFFFF80]  }
0x50: {  	v12 =	vld [tilespmem:s25+$0xFFFFFF00]  }
0x51: {  	v7 =	vmul.f32 v8, v7  }
0x52: {  	v13 =	vld [tilespmem:s25+$0x0]  }
0x53: {  	v10 =	vperm.xlane v7, v3;
	v9 =	vperm.xlane v7, v4  }
0x54: {  	v14 =	vld [tilespmem:s25+$0x80];
	v8 =	vperm.xlane v7, v5  }
0x55: {  	v12 =	vmul.f32 v12, v10;
	v11 =	vmul.f32 v11, v9;
	_ =	sdelay $0x1  }
0x56: {  	v7 =	vperm.xlane v7, v6;
	v11 =	vadd.f32 v11, v12;
	v12 =	vmul.f32 v13, v8;
	_ =	sdelay $0x1  }
0x57: {  	v11 =	vadd.f32 v12, v11;
	v12 =	vmul.f32 v14, v7;
	_ =	sdelay $0x1  }
0x58: {  	v11 =	vadd.f32 v12, v11  }
0x59: {  	s26 =	simm.s32 $0x2940  }
0x5a: {  	[tilespmem:s26+$0xFFFFFFC0] =	vst v11  }
0x5b: {  	v11 =	vld [tilespmem:s25+$0xFFFFFF10]  }
0x5c: {  	v12 =	vld [tilespmem:s25+$0xFFFFFF90];
	_ =	sdelay $0x1  }
0x5d: {  	v13 =	vld [tilespmem:s25+$0x10];
	_ =	sdelay $0x1  }
0x5e: {  	v14 =	vld [tilespmem:s25+$0x90]  }
0x5f: {  	v11 =	vmul.f32 v11, v10;
	v12 =	vmul.f32 v12, v9;
	_ =	sdelay $0x1  }
0x60: {  	v13 =	vmul.f32 v13, v8;
	v11 =	vadd.f32 v12, v11;
	_ =	sdelay $0x1  }
0x61: {  	v12 =	vmul.f32 v14, v7;
	v11 =	vadd.f32 v13, v11;
	_ =	sdelay $0x1  }
0x62: {  	v11 =	vadd.f32 v12, v11;
	_ =	sdelay $0x1  }
0x63: {  	[tilespmem:s26+$0xFFFFFFD0] =	vst v11  }
0x64: {  	v11 =	vld [tilespmem:s25+$0xFFFFFF20]  }
0x65: {  	v12 =	vld [tilespmem:s25+$0xFFFFFFA0];
	_ =	sdelay $0x1  }
0x66: {  	v13 =	vld [tilespmem:s25+$0x20];
	_ =	sdelay $0x1  }
0x67: {  	v14 =	vld [tilespmem:s25+$0xA0]  }
0x68: {  	v11 =	vmul.f32 v11, v10;
	v12 =	vmul.f32 v12, v9;
	_ =	sdelay $0x1  }
0x69: {  	v11 =	vadd.f32 v12, v11;
	v12 =	vmul.f32 v13, v8;
	_ =	sdelay $0x1  }
0x6a: {  	v11 =	vadd.f32 v12, v11;
	v12 =	vmul.f32 v14, v7;
	_ =	sdelay $0x1  }
0x6b: {  	v11 =	vadd.f32 v12, v11;
	_ =	sdelay $0x1  }
0x6c: {  	[tilespmem:s26+$0xFFFFFFE0] =	vst v11  }
0x6d: {  	v11 =	vld [tilespmem:s25+$0xFFFFFF30]  }
0x6e: {  	v12 =	vld [tilespmem:s25+$0xFFFFFFB0];
	_ =	sdelay $0x1  }
0x6f: {  	v13 =	vld [tilespmem:s25+$0x30];
	_ =	sdelay $0x1  }
0x70: {  	v14 =	vld [tilespmem:s25+$0xB0]  }
0x71: {  	v11 =	vmul.f32 v11, v10;
	v12 =	vmul.f32 v12, v9;
	_ =	sdelay $0x1  }
0x72: {  	v11 =	vadd.f32 v12, v11;
	v12 =	vmul.f32 v13, v8;
	_ =	sdelay $0x1  }
0x73: {  	v11 =	vadd.f32 v12, v11;
	v12 =	vmul.f32 v14, v7;
	_ =	sdelay $0x1  }
0x74: {  	v11 =	vadd.f32 v12, v11;
	_ =	sdelay $0x1  }
0x75: {  	[tilespmem:s26+$0xFFFFFFF0] =	vst v11  }
0x76: {  	v11 =	vld [tilespmem:s25+$0xFFFFFF40]  }
0x77: {  	v12 =	vld [tilespmem:s25+$0xFFFFFFC0];
	_ =	sdelay $0x1  }
0x78: {  	v13 =	vld [tilespmem:s25+$0x40];
	_ =	sdelay $0x1  }
0x79: {  	v14 =	vld [tilespmem:s25+$0xC0]  }
0x7a: {  	v11 =	vmul.f32 v11, v10;
	v12 =	vmul.f32 v12, v9;
	_ =	sdelay $0x1  }
0x7b: {  	v13 =	vmul.f32 v13, v8;
	v11 =	vadd.f32 v12, v11;
	_ =	sdelay $0x1  }
0x7c: {  	v12 =	vmul.f32 v14, v7;
	v11 =	vadd.f32 v13, v11;
	_ =	sdelay $0x1  }
0x7d: {  	v11 =	vadd.f32 v12, v11;
	_ =	sdelay $0x1  }
0x7e: {  	[tilespmem:s26+$0x0] =	vst v11  }
0x7f: {  	v11 =	vld [tilespmem:s25+$0xFFFFFFD0]  }
0x80: {  	v12 =	vld [tilespmem:s25+$0xFFFFFF50];
	_ =	sdelay $0x1  }
0x81: {  	v13 =	vld [tilespmem:s25+$0x50];
	_ =	sdelay $0x1  }
0x82: {  	v14 =	vld [tilespmem:s25+$0xD0]  }
0x83: {  	v11 =	vmul.f32 v11, v9;
	v12 =	vmul.f32 v12, v10;
	_ =	sdelay $0x1  }
0x84: {  	v13 =	vmul.f32 v13, v8;
	v11 =	vadd.f32 v11, v12;
	_ =	sdelay $0x1  }
0x85: {  	v12 =	vmul.f32 v14, v7;
	v11 =	vadd.f32 v13, v11;
	_ =	sdelay $0x1  }
0x86: {  	v11 =	vadd.f32 v12, v11;
	_ =	sdelay $0x1  }
0x87: {  	[tilespmem:s26+$0x10] =	vst v11  }
0x88: {  	v11 =	vld [tilespmem:s25+$0xFFFFFF60]  }
0x89: {  	v12 =	vld [tilespmem:s25+$0xFFFFFFE0];
	_ =	sdelay $0x1  }
0x8a: {  	v13 =	vld [tilespmem:s25+$0x60];
	_ =	sdelay $0x1  }
0x8b: {  	v14 =	vld [tilespmem:s25+$0xE0]  }
0x8c: {  	v11 =	vmul.f32 v11, v10;
	v12 =	vmul.f32 v12, v9;
	_ =	sdelay $0x1  }
0x8d: {  	v13 =	vmul.f32 v13, v8;
	v11 =	vadd.f32 v12, v11;
	_ =	sdelay $0x1  }
0x8e: {  	v12 =	vmul.f32 v14, v7;
	v11 =	vadd.f32 v13, v11;
	_ =	sdelay $0x1  }
0x8f: {  	v11 =	vadd.f32 v12, v11;
	_ =	sdelay $0x1  }
0x90: {  	[tilespmem:s26+$0x20] =	vst v11  }
0x91: {  	v14 =	vld [tilespmem:s25+$0xFFFFFF70]  }
0x92: {  	v13 =	vld [tilespmem:s25+$0xFFFFFFF0]  }
0x93: {  	v12 =	vld [tilespmem:s25+$0x70]  }
0x94: {  	s29 =	simm.s32 $0x1;
	s30 =	simm.s32 $0x0;
	s28 =	simm.s32 $0x2940;
	v11 =	vld [tilespmem:s25+$0xF0]  }
.LBB2_7:
0x95: {  	s30 =	sadd.s32 $0x4, s30;
	s26 =	sadd.s32 $0x80, s26;
	s25 =	sadd.s32 $0x200, s25  }
0x96: {  	p0 =	sne.s32 s29, $0xF;
	s31 =	smov.u32 s29;
	s29 =	sadd.s32 $0x1, s29;
	v10 =	vmul.f32 v14, v10  }
0x97: {  	v9 =	vmul.f32 v13, v9  }
0x98: {  	s0 =	sor.u32 s24, s30;
	s31 =	sshll.u32 s31, $0x7;
	v8 =	vmul.f32 v12, v8  }
0x99: {  	v13 =	vor.u32 s31, v2;
	v12 =	vor.u32 s0, v0;
	v9 =	vadd.f32 v9, v10  }
0x9a: {  	v7 =	vmul.f32 v11, v7  }
0x9b: {  	v8 =	vadd.f32 v8, v9;
	_ =	sdelay $0x1  }
0x9c: {  	v7 =	vadd.f32 v7, v8;
	_ =	sdelay $0x1  }
0x9d: {  	[tilespmem:s28+$0x30] =	vst v7;
	s28 =	smov.u32 s26  }
0x9e: {  	v7 =	vld.idx.msk [tilespmem:v12+s21+$0x0], $0xffff  }
0x9f: {  	v8 =	vld.idx.msk [tilespmem:v13+s19+$0x0], $0xffff;
	_ =	sdelay $0x3  }
0xa0: {  	v11 =	vld [tilespmem:s25+$0xFFFFFF80]  }
0xa1: {  	v12 =	vld [tilespmem:s25+$0xFFFFFF00]  }
0xa2: {  	v7 =	vmul.f32 v8, v7  }
0xa3: {  	v13 =	vld [tilespmem:s25+$0x0]  }
0xa4: {  	v10 =	vperm.xlane v7, v3;
	v9 =	vperm.xlane v7, v4  }
0xa5: {  	v8 =	vperm.xlane v7, v5;
	v7 =	vperm.xlane v7, v6;
	v14 =	vld [tilespmem:s25+$0x80]  }
0xa6: {  	v11 =	vmul.f32 v11, v9;
	v12 =	vmul.f32 v12, v10;
	_ =	sdelay $0x1  }
0xa7: {  	v11 =	vadd.f32 v11, v12;
	v12 =	vmul.f32 v13, v8;
	_ =	sdelay $0x1  }
0xa8: {  	v11 =	vadd.f32 v12, v11;
	v12 =	vmul.f32 v14, v7;
	_ =	sdelay $0x1  }
0xa9: {  	v11 =	vadd.f32 v12, v11;
	_ =	sdelay $0x1  }
0xaa: {  	[tilespmem:s26+$0xFFFFFFC0] =	vst v11  }
0xab: {  	v11 =	vld [tilespmem:s25+$0xFFFFFF10]  }
0xac: {  	v12 =	vld [tilespmem:s25+$0xFFFFFF90]  }
0xad: {  	v13 =	vld [tilespmem:s25+$0x10];
	_ =	sdelay $0x2  }
0xae: {  	v11 =	vmul.f32 v11, v10;
	v14 =	vld [tilespmem:s25+$0x90]  }
0xaf: {  	v12 =	vmul.f32 v12, v9  }
0xb0: {  	v13 =	vmul.f32 v13, v8  }
0xb1: {  	v11 =	vadd.f32 v12, v11;
	_ =	sdelay $0x1  }
0xb2: {  	v11 =	vadd.f32 v13, v11;
	v12 =	vmul.f32 v14, v7;
	_ =	sdelay $0x1  }
0xb3: {  	v11 =	vadd.f32 v12, v11;
	_ =	sdelay $0x1  }
0xb4: {  	[tilespmem:s26+$0xFFFFFFD0] =	vst v11  }
0xb5: {  	v11 =	vld [tilespmem:s25+$0xFFFFFF20]  }
0xb6: {  	v12 =	vld [tilespmem:s25+$0xFFFFFFA0];
	_ =	sdelay $0x1  }
0xb7: {  	v13 =	vld [tilespmem:s25+$0x20];
	_ =	sdelay $0x1  }
0xb8: {  	v11 =	vmul.f32 v11, v10;
	v14 =	vld [tilespmem:s25+$0xA0]  }
0xb9: {  	v12 =	vmul.f32 v12, v9;
	_ =	sdelay $0x1  }
0xba: {  	v11 =	vadd.f32 v12, v11;
	v12 =	vmul.f32 v13, v8;
	_ =	sdelay $0x1  }
0xbb: {  	v11 =	vadd.f32 v12, v11;
	v12 =	vmul.f32 v14, v7;
	_ =	sdelay $0x1  }
0xbc: {  	v11 =	vadd.f32 v12, v11;
	_ =	sdelay $0x1  }
0xbd: {  	[tilespmem:s26+$0xFFFFFFE0] =	vst v11  }
0xbe: {  	v11 =	vld [tilespmem:s25+$0xFFFFFF30]  }
0xbf: {  	v12 =	vld [tilespmem:s25+$0xFFFFFFB0];
	_ =	sdelay $0x1  }
0xc0: {  	v13 =	vld [tilespmem:s25+$0x30];
	_ =	sdelay $0x1  }
0xc1: {  	v11 =	vmul.f32 v11, v10;
	v14 =	vld [tilespmem:s25+$0xB0]  }
0xc2: {  	v12 =	vmul.f32 v12, v9;
	_ =	sdelay $0x1  }
0xc3: {  	v11 =	vadd.f32 v12, v11;
	v12 =	vmul.f32 v13, v8;
	_ =	sdelay $0x1  }
0xc4: {  	v11 =	vadd.f32 v12, v11;
	v12 =	vmul.f32 v14, v7;
	_ =	sdelay $0x1  }
0xc5: {  	v11 =	vadd.f32 v12, v11;
	_ =	sdelay $0x1  }
0xc6: {  	[tilespmem:s26+$0xFFFFFFF0] =	vst v11  }
0xc7: {  	v11 =	vld [tilespmem:s25+$0xFFFFFF40]  }
0xc8: {  	v12 =	vld [tilespmem:s25+$0xFFFFFFC0]  }
0xc9: {  	v13 =	vld [tilespmem:s25+$0x40];
	_ =	sdelay $0x2  }
0xca: {  	v11 =	vmul.f32 v11, v10;
	v14 =	vld [tilespmem:s25+$0xC0]  }
0xcb: {  	v12 =	vmul.f32 v12, v9  }
0xcc: {  	v13 =	vmul.f32 v13, v8  }
0xcd: {  	v11 =	vadd.f32 v12, v11;
	_ =	sdelay $0x1  }
0xce: {  	v11 =	vadd.f32 v13, v11;
	v12 =	vmul.f32 v14, v7;
	_ =	sdelay $0x1  }
0xcf: {  	v11 =	vadd.f32 v12, v11;
	_ =	sdelay $0x1  }
0xd0: {  	[tilespmem:s26+$0x0] =	vst v11  }
0xd1: {  	v11 =	vld [tilespmem:s25+$0xFFFFFFD0]  }
0xd2: {  	v12 =	vld [tilespmem:s25+$0xFFFFFF50]  }
0xd3: {  	v13 =	vld [tilespmem:s25+$0x50]  }
0xd4: {  	v14 =	vld [tilespmem:s25+$0xD0];
	_ =	sdelay $0x1  }
0xd5: {  	v11 =	vmul.f32 v11, v9  }
0xd6: {  	v12 =	vmul.f32 v12, v10  }
0xd7: {  	v13 =	vmul.f32 v13, v8  }
0xd8: {  	v11 =	vadd.f32 v11, v12;
	v12 =	vmul.f32 v14, v7;
	_ =	sdelay $0x1  }
0xd9: {  	v11 =	vadd.f32 v13, v11;
	_ =	sdelay $0x1  }
0xda: {  	v11 =	vadd.f32 v12, v11;
	_ =	sdelay $0x1  }
0xdb: {  	[tilespmem:s26+$0x10] =	vst v11  }
0xdc: {  	v11 =	vld [tilespmem:s25+$0xFFFFFF60]  }
0xdd: {  	v12 =	vld [tilespmem:s25+$0xFFFFFFE0]  }
0xde: {  	v13 =	vld [tilespmem:s25+$0x60]  }
0xdf: {  	v14 =	vld [tilespmem:s25+$0xE0];
	_ =	sdelay $0x1  }
0xe0: {  	v11 =	vmul.f32 v11, v10  }
0xe1: {  	v12 =	vmul.f32 v12, v9  }
0xe2: {  	v13 =	vmul.f32 v13, v8  }
0xe3: {  	v11 =	vadd.f32 v12, v11;
	v12 =	vmul.f32 v14, v7;
	_ =	sdelay $0x1  }
0xe4: {  	v11 =	vadd.f32 v13, v11;
	_ =	sdelay $0x1  }
0xe5: {  	v11 =	vadd.f32 v12, v11;
	_ =	sdelay $0x1  }
.Ltmp2:
0xe6: {  	[tilespmem:s26+$0x20] =	vst v11;
	(pc) =	sbr.rel @p0 .LBB2_7-.Ltmp2, $4  }
0xe7: {  	v14 =	vld [tilespmem:s25+$0xFFFFFF70]  }
0xe8: {  	v13 =	vld [tilespmem:s25+$0xFFFFFFF0]  }
0xe9: {  	v12 =	vld [tilespmem:s25+$0x70]  }
0xea: {  	v11 =	vld [tilespmem:s25+$0xF0]  }
0xeb: {  	_ =	sdelay $0x1  }
0xec: {  	v10 =	vmul.f32 v14, v10;
	v9 =	vmul.f32 v13, v9;
	_ =	sdelay $0x1  }
0xed: {  	v8 =	vmul.f32 v12, v8;
	v9 =	vadd.f32 v9, v10;
	_ =	sdelay $0x1  }
0xee: {  	v7 =	vmul.f32 v11, v7;
	v8 =	vadd.f32 v8, v9;
	_ =	sdelay $0x1  }
0xef: {  	s23 =	sadd.s32 $0x1, s23;
	v7 =	vadd.f32 v7, v8  }
0xf0: {  	p0 =	sne.s32 s23, $0x271  }
.Ltmp3:
0xf1: {  	[tilespmem:s28+$0x30] =	vst v7;
	(pc) =	sbr.rel @p0 .LBB2_6-.Ltmp3, $4  }
0xf2: {  	[spmem:s1] =	stream.indirect.scatter.add.f32 [tilespmem:s14], [sflag:$0x2], $0x80, s16, s17, $0xb8;
	[tilespmem:$0x18500] =	vst v63  }
0xf3: {  	_ =	swait.ge [sflag:s15], $0x800  }
0xf4: {  	[sflag:s15] =	ssyncset.done $0x0  }
0xf5: {  	[sflag:s15] =	ssyncadd.s32 $0xFFFFF800  }
0xf6: {  	s3 =	sadd.s32 $0x1, s3  }
0xf7: {  	s0 =	sshll.u32 s2, $0x6;
	[bflag:$0x0] =	sbarrier.arrive $0xFFFF;
	p0 =	sne.s32 s3, s13  }
.Ltmp4:
0xf8: {  	s22 =	sshrl.u32 s10, $0x3;
	s0 =	sor.u32 $0x1C02, s0;
	(pc) =	sbr.rel @p0 .LBB2_1-.Ltmp4, $4  }
0xf9: {  	[hbm:s12], [sflag:s0] =	dma.local [spmem:s22], $0x2800  }
0xfa: {  	_ =	swait.ge [sflag:s15], $0x2800  }
0xfb: {  	[sflag:s15] =	ssyncset.done $0x0  }
0xfc: {  	[sflag:s15] =	ssyncadd.s32 $0xFFFFD800  }
0xfd: {  	_ =	sfence.sel $0x180000  }
0xfe: {  	[bflag:$0x0] =	sbarrier.arrive $0xFFFF  }
0xff: {  	_ =	strace $0x9000004A  }
0x100: {  	[bflag:$0x2] =	sbarrier.arrive $0xFFFF  }
0x101: {  	p0 =	sne.s32 s2, $0x0;
	s0 =	rddreg [dreg:$0x2]  }
0x102: {  	s0 =	sadd.s32 @!p0 $0x100000, s0  }
0x103: {  	[sflag:s0] =	ssyncadd.tile.s32 @!p0 $0x1;
	_ =	shalt  }
.Lfunc_end2:
_tile_overlayer_lowered:
.L_overlay_start_2:
0x104: {  	(tag) =	ssettag $0x2  }
0x105: {  	s0 =	rddreg [dreg:$0x0];
	s2 =	stileid.u32  }
0x106: {  	s1 =	rddreg [dreg:$0x1];
	p0 =	sne.s32 s2, $0x0  }
0x107: {  	s3 =	rddreg [dreg:$0x2];
	[bflag:$0x3] =	sbarrier.arrive $0xFFFF;
	s2 =	simm.s32 @!p0 $0x1C02  }
0x108: {  	[timem:s3], [sflag:s2] =	dma.local @!p0 [hbm:s0], s1  }
0x109: {  	s0 =	simm.s32 @!p0 $0x2  }
0x10a: {  	_ =	swait.ge @!p0 [sflag:s0], s1  }
0x10b: {  	s1 =	ssub.s32 @!p0 $0x0, s1;
	[sflag:s0] =	ssyncset.done @!p0 $0x0  }
0x10c: {  	[sflag:s0] =	ssyncadd.s32 @!p0 s1  }
0x10d: {  	[bflag:$0x3] =	sbarrier.arrive $0xFFFF  }
0x10e: {  	_ =	shalt  }

</sc_bundles>
